<compile_context>
chip_gen: v7x
topology: tpu7x:2x2x1
jax: 0.10.2.dev20260603
libtpu: 0.0.44.dev20260713+nightly
codegen_flags: <defaults>
</compile_context>

<pallas_src>
import functools

import jax
import jax.numpy as jnp
from jax import lax
from jax.experimental import pallas as pl
from jax.experimental.pallas import tpu as pltpu
from jax.experimental.pallas import tpu_sc as plsc

_NB = 2
_NS = 8


@functools.partial(jax.jit, static_argnames=("hp", "nb"))
def _gather_sc(vp, idx, hp, nb):
    b, h = idx.shape
    dp = vp.shape[1]
    info = plsc.get_sparse_core_info()
    nc = info.num_cores
    nw = nc * info.num_subcores
    rows_per_w = b // nw
    n_chunks = rows_per_w // nb

    mesh = plsc.VectorSubcoreMesh(core_axis_name="c", subcore_axis_name="s")

    @functools.partial(
        pl.kernel,
        mesh=mesh,
        out_type=jax.ShapeDtypeStruct((b, hp, dp), jnp.float32),
        compiler_params=pltpu.CompilerParams(use_tc_tiling_on_sc=False,
                                             needs_layout_passes=False),
        scratch_types=[
            pltpu.VMEM((rows_per_w, h), jnp.int32),
            pltpu.VMEM((_NS, nb, h, dp), jnp.float32),
        ] + [pltpu.SemaphoreType.DMA] * (2 * _NS),
    )
    def k(table_hbm, idx_hbm, out_hbm, idx_all, rows_v, *sems):
        wid = lax.axis_index("s") * nc + lax.axis_index("c")
        base = wid * rows_per_w
        gsem = sems[:_NS]
        wsem = sems[_NS:]

        pltpu.sync_copy(idx_hbm.at[pl.ds(base, rows_per_w)], idx_all)

        def start_gathers(g, slot):
            for j in range(nb):
                pltpu.make_async_copy(
                    table_hbm.at[idx_all.at[g * nb + j]],
                    rows_v.at[slot, j],
                    gsem[slot],
                ).start()

        def wait_gathers(slot):
            pltpu.make_async_copy(
                table_hbm.at[idx_all.at[0]],
                rows_v.at[slot],
                gsem[slot],
            ).wait()

        def start_write(g, slot):
            pltpu.make_async_copy(
                rows_v.at[slot],
                out_hbm.at[pl.ds(base + g * nb, nb), pl.ds(0, h), :],
                wsem[slot],
            ).start()

        def wait_write(slot):
            pltpu.make_async_copy(
                rows_v.at[slot],
                out_hbm.at[pl.ds(base, nb), pl.ds(0, h), :],
                wsem[slot],
            ).wait()

        for u in range(_NS - 1):
            start_gathers(u, u)

        def step(g_dyn, u):
            s3 = (u + _NS - 1) % _NS
            pn = g_dyn + _NS - 1

            @pl.when(jnp.logical_and(pn < n_chunks, g_dyn >= 1))
            def _():
                wait_write(s3)

            @pl.when(pn < n_chunks)
            def _():
                start_gathers(pn, s3)

            wait_gathers(u)
            start_write(g_dyn, u)

        def body(i, carry):
            for u in range(_NS):
                step(_NS * i + u, u)
            return carry

        lax.fori_loop(0, n_chunks // _NS, body, 0)
        for u in range(_NS):
            wait_write(u)

    return k(vp, idx)


def kernel(v, idx):
    b, h = idx.shape
    d = v.shape[1]
    hp = 56
    vp = jnp.pad(v, ((0, 0), (0, 128 - d)))
    y = _gather_sc(vp, idx, hp, _NB)
    return y[:, :h, :d]

# --- scband reference (transcript-rebuilt; emitter-appended) ---
"""Pipeline reference for scband-vector-15083925143899 (READ-ONLY COPY).

The authoritative reference and input builder live on the scoring server;
editing this copy changes nothing except your own understanding.
"""

import jax, jax.numpy as jnp
import numpy as np

VOCAB = 1000000
EMBED_DIM = 64
BATCH = 16384
HIST = 50

def setup_inputs(seed: int = 0) -> dict:
    key = jax.random.key(seed)
    k1, k2 = jax.random.split(key)
    v = jax.random.normal(k1, (VOCAB, EMBED_DIM), dtype=jnp.float32)
    idx = jax.random.randint(k2, (BATCH, HIST), 0, VOCAB)
    return {"v": v, "idx": idx}

def reference(v, idx):
    # Faithful translation of Vector.forward: self.v[idx]
    return jnp.take(v, idx, axis=0)

if __name__ == "__main__":
    import jax
    _d = setup_inputs()
    print(jax.jit(kernel)(*tuple(_d.values())))

</pallas_src>

<mosaic_0001>
#map = affine_map<(d0, d1) -> (0, 0)>
#map1 = affine_map<(d0, d1) -> (0, 0, 0)>
module attributes {stable_mosaic.version = 14 : i64} {
  func.func @k(%arg0: i32, %arg1: i32, %arg2: memref<1000000x128xf32, #tpu.memory_space<hbm>>, %arg3: memref<16384x50xi32, #tpu.memory_space<hbm>>, %arg4: memref<16384x56x128xf32, #tpu.memory_space<hbm>>, %arg5: memref<512x50xi32, #tpu.memory_space<vmem>>, %arg6: memref<8x2x50x128xf32, #tpu.memory_space<vmem>>, %arg7: memref<!tpu.dma_semaphore, #tpu.memory_space<semaphore_mem>>, %arg8: memref<!tpu.dma_semaphore, #tpu.memory_space<semaphore_mem>>, %arg9: memref<!tpu.dma_semaphore, #tpu.memory_space<semaphore_mem>>, %arg10: memref<!tpu.dma_semaphore, #tpu.memory_space<semaphore_mem>>, %arg11: memref<!tpu.dma_semaphore, #tpu.memory_space<semaphore_mem>>, %arg12: memref<!tpu.dma_semaphore, #tpu.memory_space<semaphore_mem>>, %arg13: memref<!tpu.dma_semaphore, #tpu.memory_space<semaphore_mem>>, %arg14: memref<!tpu.dma_semaphore, #tpu.memory_space<semaphore_mem>>, %arg15: memref<!tpu.dma_semaphore, #tpu.memory_space<semaphore_mem>>, %arg16: memref<!tpu.dma_semaphore, #tpu.memory_space<semaphore_mem>>, %arg17: memref<!tpu.dma_semaphore, #tpu.memory_space<semaphore_mem>>, %arg18: memref<!tpu.dma_semaphore, #tpu.memory_space<semaphore_mem>>, %arg19: memref<!tpu.dma_semaphore, #tpu.memory_space<semaphore_mem>>, %arg20: memref<!tpu.dma_semaphore, #tpu.memory_space<semaphore_mem>>, %arg21: memref<!tpu.dma_semaphore, #tpu.memory_space<semaphore_mem>>, %arg22: memref<!tpu.dma_semaphore, #tpu.memory_space<semaphore_mem>>) attributes {dimension_semantics = [#tpu.dimension_semantics<core_parallel>, #tpu.dimension_semantics<subcore_parallel>], iteration_bounds = array<i64: 2, 16>, scalar_prefetch = 0 : i64, scratch_operands = 18 : i64, tpu.core_type = #tpu.core_type<sc_vector_subcore>, window_params = [{transform_indices = #map}, {transform_indices = #map}, {transform_indices = #map1}]} {
    %mul3A = arith.constant 2 : i32
    %mul3A_0 = arith.muli %arg1, %mul3A : i32
    %add3A = arith.addi %mul3A_0, %arg0 : i32
    %mul3A_1 = arith.constant 512 : i32
    %mul3A_2 = arith.muli %add3A, %mul3A_1 : i32
    "tpu.region"() ({
      %run_scoped3A = tpu.sem_alloc : memref<!tpu.dma_semaphore, #tpu.memory_space<semaphore_mem>>
      %dma_start3A_324 = arith.constant 0 : i32
      %dma_start3A_325 = tpu.memref_slice %arg3[%mul3A_2, %dma_start3A_324] : memref<16384x50xi32, #tpu.memory_space<hbm>> -> memref<512x50xi32, #tpu.memory_space<hbm>>
      %dma_start3A_326 = arith.constant 0 : i32
      %dma_start3A_327 = tpu.memref_slice %arg3[%mul3A_2, %dma_start3A_326] : memref<16384x50xi32, #tpu.memory_space<hbm>> -> memref<512x50xi32, #tpu.memory_space<hbm>>
      tpu.enqueue_dma source(%dma_start3A_327 : memref<512x50xi32, #tpu.memory_space<hbm>>) target(%arg5 : memref<512x50xi32, #tpu.memory_space<vmem>>) target_semaphore(%run_scoped3A : memref<!tpu.dma_semaphore, #tpu.memory_space<semaphore_mem>>)
      %dma_wait3A_328 = arith.constant 0 : i32
      %dma_wait3A_329 = tpu.memref_slice %arg3[%mul3A_2, %dma_wait3A_328] : memref<16384x50xi32, #tpu.memory_space<hbm>> -> memref<512x50xi32, #tpu.memory_space<hbm>>
      %dma_wait3A_330 = arith.constant 0 : i32
      %dma_wait3A_331 = tpu.memref_slice %arg3[%mul3A_2, %dma_wait3A_330] : memref<16384x50xi32, #tpu.memory_space<hbm>> -> memref<512x50xi32, #tpu.memory_space<hbm>>
      tpu.wait_dma2 semaphore(%run_scoped3A : memref<!tpu.dma_semaphore, #tpu.memory_space<semaphore_mem>>) src(%dma_wait3A_331 : memref<512x50xi32, #tpu.memory_space<hbm>>) dst(%arg5 : memref<512x50xi32, #tpu.memory_space<vmem>>)
      tpu.yield
    }) : () -> ()
    %dma_start3A = arith.constant 0 : i32
    %dma_start3A_3 = arith.constant 0 : i32
    %dma_start3A_4 = arith.constant 0 : i32
    %dma_start3A_5 = arith.constant 0 : i32
    %dma_start3A_6 = arith.constant 0 : i32
    %dma_start3A_7 = tpu.memref_slice %arg6[%dma_start3A_3, %dma_start3A_4, %dma_start3A_5, %dma_start3A_6] : memref<8x2x50x128xf32, #tpu.memory_space<vmem>> -> memref<1x1x50x128xf32, #tpu.memory_space<vmem>>
    %dma_start3A_8 = tpu.memref_squeeze %dma_start3A_7 : memref<1x1x50x128xf32, #tpu.memory_space<vmem>> -> memref<50x128xf32, #tpu.memory_space<vmem>>
    %dma_start3A_9 = arith.constant 0 : i32
    %dma_start3A_10 = tpu.memref_slice %arg5[%dma_start3A, %dma_start3A_9] : memref<512x50xi32, #tpu.memory_space<vmem>> -> memref<1x50xi32, #tpu.memory_space<vmem>>
    %dma_start3A_11 = tpu.memref_squeeze %dma_start3A_10 : memref<1x50xi32, #tpu.memory_space<vmem>> -> memref<50xi32, #tpu.memory_space<vmem>>
    %dma_start3A_12 = arith.constant 0 : i32
    %dma_start3A_13 = arith.constant 0 : i32
    %dma_start3A_14 = tpu.memref_slice %arg2[%dma_start3A_12, %dma_start3A_13] : memref<1000000x128xf32, #tpu.memory_space<hbm>> -> memref<1000000x128xf32, #tpu.memory_space<hbm>>
    tpu.enqueue_indirect_dma source(%dma_start3A_14 : memref<1000000x128xf32, #tpu.memory_space<hbm>>) target(%dma_start3A_8 : memref<50x128xf32, #tpu.memory_space<vmem>>) offsets(%dma_start3A_11 : memref<50xi32, #tpu.memory_space<vmem>>) semaphore(%arg7 : memref<!tpu.dma_semaphore, #tpu.memory_space<semaphore_mem>>)
    %dma_start3A_15 = arith.constant 1 : i32
    %dma_start3A_16 = arith.constant 0 : i32
    %dma_start3A_17 = arith.constant 1 : i32
    %dma_start3A_18 = arith.constant 0 : i32
    %dma_start3A_19 = arith.constant 0 : i32
    %dma_start3A_20 = tpu.memref_slice %arg6[%dma_start3A_16, %dma_start3A_17, %dma_start3A_18, %dma_start3A_19] : memref<8x2x50x128xf32, #tpu.memory_space<vmem>> -> memref<1x1x50x128xf32, #tpu.memory_space<vmem>>
    %dma_start3A_21 = tpu.memref_squeeze %dma_start3A_20 : memref<1x1x50x128xf32, #tpu.memory_space<vmem>> -> memref<50x128xf32, #tpu.memory_space<vmem>>
    %dma_start3A_22 = arith.constant 0 : i32
    %dma_start3A_23 = tpu.memref_slice %arg5[%dma_start3A_15, %dma_start3A_22] : memref<512x50xi32, #tpu.memory_space<vmem>> -> memref<1x50xi32, #tpu.memory_space<vmem>>
    %dma_start3A_24 = tpu.memref_squeeze %dma_start3A_23 : memref<1x50xi32, #tpu.memory_space<vmem>> -> memref<50xi32, #tpu.memory_space<vmem>>
    %dma_start3A_25 = arith.constant 0 : i32
    %dma_start3A_26 = arith.constant 0 : i32
    %dma_start3A_27 = tpu.memref_slice %arg2[%dma_start3A_25, %dma_start3A_26] : memref<1000000x128xf32, #tpu.memory_space<hbm>> -> memref<1000000x128xf32, #tpu.memory_space<hbm>>
    tpu.enqueue_indirect_dma source(%dma_start3A_27 : memref<1000000x128xf32, #tpu.memory_space<hbm>>) target(%dma_start3A_21 : memref<50x128xf32, #tpu.memory_space<vmem>>) offsets(%dma_start3A_24 : memref<50xi32, #tpu.memory_space<vmem>>) semaphore(%arg7 : memref<!tpu.dma_semaphore, #tpu.memory_space<semaphore_mem>>)
    %dma_start3A_28 = arith.constant 2 : i32
    %dma_start3A_29 = arith.constant 1 : i32
    %dma_start3A_30 = arith.constant 0 : i32
    %dma_start3A_31 = arith.constant 0 : i32
    %dma_start3A_32 = arith.constant 0 : i32
    %dma_start3A_33 = tpu.memref_slice %arg6[%dma_start3A_29, %dma_start3A_30, %dma_start3A_31, %dma_start3A_32] : memref<8x2x50x128xf32, #tpu.memory_space<vmem>> -> memref<1x1x50x128xf32, #tpu.memory_space<vmem>>
    %dma_start3A_34 = tpu.memref_squeeze %dma_start3A_33 : memref<1x1x50x128xf32, #tpu.memory_space<vmem>> -> memref<50x128xf32, #tpu.memory_space<vmem>>
    %dma_start3A_35 = arith.constant 0 : i32
    %dma_start3A_36 = tpu.memref_slice %arg5[%dma_start3A_28, %dma_start3A_35] : memref<512x50xi32, #tpu.memory_space<vmem>> -> memref<1x50xi32, #tpu.memory_space<vmem>>
    %dma_start3A_37 = tpu.memref_squeeze %dma_start3A_36 : memref<1x50xi32, #tpu.memory_space<vmem>> -> memref<50xi32, #tpu.memory_space<vmem>>
    %dma_start3A_38 = arith.constant 0 : i32
    %dma_start3A_39 = arith.constant 0 : i32
    %dma_start3A_40 = tpu.memref_slice %arg2[%dma_start3A_38, %dma_start3A_39] : memref<1000000x128xf32, #tpu.memory_space<hbm>> -> memref<1000000x128xf32, #tpu.memory_space<hbm>>
    tpu.enqueue_indirect_dma source(%dma_start3A_40 : memref<1000000x128xf32, #tpu.memory_space<hbm>>) target(%dma_start3A_34 : memref<50x128xf32, #tpu.memory_space<vmem>>) offsets(%dma_start3A_37 : memref<50xi32, #tpu.memory_space<vmem>>) semaphore(%arg8 : memref<!tpu.dma_semaphore, #tpu.memory_space<semaphore_mem>>)
    %dma_start3A_41 = arith.constant 3 : i32
    %dma_start3A_42 = arith.constant 1 : i32
    %dma_start3A_43 = arith.constant 1 : i32
    %dma_start3A_44 = arith.constant 0 : i32
    %dma_start3A_45 = arith.constant 0 : i32
    %dma_start3A_46 = tpu.memref_slice %arg6[%dma_start3A_42, %dma_start3A_43, %dma_start3A_44, %dma_start3A_45] : memref<8x2x50x128xf32, #tpu.memory_space<vmem>> -> memref<1x1x50x128xf32, #tpu.memory_space<vmem>>
    %dma_start3A_47 = tpu.memref_squeeze %dma_start3A_46 : memref<1x1x50x128xf32, #tpu.memory_space<vmem>> -> memref<50x128xf32, #tpu.memory_space<vmem>>
    %dma_start3A_48 = arith.constant 0 : i32
    %dma_start3A_49 = tpu.memref_slice %arg5[%dma_start3A_41, %dma_start3A_48] : memref<512x50xi32, #tpu.memory_space<vmem>> -> memref<1x50xi32, #tpu.memory_space<vmem>>
    %dma_start3A_50 = tpu.memref_squeeze %dma_start3A_49 : memref<1x50xi32, #tpu.memory_space<vmem>> -> memref<50xi32, #tpu.memory_space<vmem>>
    %dma_start3A_51 = arith.constant 0 : i32
    %dma_start3A_52 = arith.constant 0 : i32
    %dma_start3A_53 = tpu.memref_slice %arg2[%dma_start3A_51, %dma_start3A_52] : memref<1000000x128xf32, #tpu.memory_space<hbm>> -> memref<1000000x128xf32, #tpu.memory_space<hbm>>
    tpu.enqueue_indirect_dma source(%dma_start3A_53 : memref<1000000x128xf32, #tpu.memory_space<hbm>>) target(%dma_start3A_47 : memref<50x128xf32, #tpu.memory_space<vmem>>) offsets(%dma_start3A_50 : memref<50xi32, #tpu.memory_space<vmem>>) semaphore(%arg8 : memref<!tpu.dma_semaphore, #tpu.memory_space<semaphore_mem>>)
    %dma_start3A_54 = arith.constant 4 : i32
    %dma_start3A_55 = arith.constant 2 : i32
    %dma_start3A_56 = arith.constant 0 : i32
    %dma_start3A_57 = arith.constant 0 : i32
    %dma_start3A_58 = arith.constant 0 : i32
    %dma_start3A_59 = tpu.memref_slice %arg6[%dma_start3A_55, %dma_start3A_56, %dma_start3A_57, %dma_start3A_58] : memref<8x2x50x128xf32, #tpu.memory_space<vmem>> -> memref<1x1x50x128xf32, #tpu.memory_space<vmem>>
    %dma_start3A_60 = tpu.memref_squeeze %dma_start3A_59 : memref<1x1x50x128xf32, #tpu.memory_space<vmem>> -> memref<50x128xf32, #tpu.memory_space<vmem>>
    %dma_start3A_61 = arith.constant 0 : i32
    %dma_start3A_62 = tpu.memref_slice %arg5[%dma_start3A_54, %dma_start3A_61] : memref<512x50xi32, #tpu.memory_space<vmem>> -> memref<1x50xi32, #tpu.memory_space<vmem>>
    %dma_start3A_63 = tpu.memref_squeeze %dma_start3A_62 : memref<1x50xi32, #tpu.memory_space<vmem>> -> memref<50xi32, #tpu.memory_space<vmem>>
    %dma_start3A_64 = arith.constant 0 : i32
    %dma_start3A_65 = arith.constant 0 : i32
    %dma_start3A_66 = tpu.memref_slice %arg2[%dma_start3A_64, %dma_start3A_65] : memref<1000000x128xf32, #tpu.memory_space<hbm>> -> memref<1000000x128xf32, #tpu.memory_space<hbm>>
    tpu.enqueue_indirect_dma source(%dma_start3A_66 : memref<1000000x128xf32, #tpu.memory_space<hbm>>) target(%dma_start3A_60 : memref<50x128xf32, #tpu.memory_space<vmem>>) offsets(%dma_start3A_63 : memref<50xi32, #tpu.memory_space<vmem>>) semaphore(%arg9 : memref<!tpu.dma_semaphore, #tpu.memory_space<semaphore_mem>>)
    %dma_start3A_67 = arith.constant 5 : i32
    %dma_start3A_68 = arith.constant 2 : i32
    %dma_start3A_69 = arith.constant 1 : i32
    %dma_start3A_70 = arith.constant 0 : i32
    %dma_start3A_71 = arith.constant 0 : i32
    %dma_start3A_72 = tpu.memref_slice %arg6[%dma_start3A_68, %dma_start3A_69, %dma_start3A_70, %dma_start3A_71] : memref<8x2x50x128xf32, #tpu.memory_space<vmem>> -> memref<1x1x50x128xf32, #tpu.memory_space<vmem>>
    %dma_start3A_73 = tpu.memref_squeeze %dma_start3A_72 : memref<1x1x50x128xf32, #tpu.memory_space<vmem>> -> memref<50x128xf32, #tpu.memory_space<vmem>>
    %dma_start3A_74 = arith.constant 0 : i32
    %dma_start3A_75 = tpu.memref_slice %arg5[%dma_start3A_67, %dma_start3A_74] : memref<512x50xi32, #tpu.memory_space<vmem>> -> memref<1x50xi32, #tpu.memory_space<vmem>>
    %dma_start3A_76 = tpu.memref_squeeze %dma_start3A_75 : memref<1x50xi32, #tpu.memory_space<vmem>> -> memref<50xi32, #tpu.memory_space<vmem>>
    %dma_start3A_77 = arith.constant 0 : i32
    %dma_start3A_78 = arith.constant 0 : i32
    %dma_start3A_79 = tpu.memref_slice %arg2[%dma_start3A_77, %dma_start3A_78] : memref<1000000x128xf32, #tpu.memory_space<hbm>> -> memref<1000000x128xf32, #tpu.memory_space<hbm>>
    tpu.enqueue_indirect_dma source(%dma_start3A_79 : memref<1000000x128xf32, #tpu.memory_space<hbm>>) target(%dma_start3A_73 : memref<50x128xf32, #tpu.memory_space<vmem>>) offsets(%dma_start3A_76 : memref<50xi32, #tpu.memory_space<vmem>>) semaphore(%arg9 : memref<!tpu.dma_semaphore, #tpu.memory_space<semaphore_mem>>)
    %dma_start3A_80 = arith.constant 6 : i32
    %dma_start3A_81 = arith.constant 3 : i32
    %dma_start3A_82 = arith.constant 0 : i32
    %dma_start3A_83 = arith.constant 0 : i32
    %dma_start3A_84 = arith.constant 0 : i32
    %dma_start3A_85 = tpu.memref_slice %arg6[%dma_start3A_81, %dma_start3A_82, %dma_start3A_83, %dma_start3A_84] : memref<8x2x50x128xf32, #tpu.memory_space<vmem>> -> memref<1x1x50x128xf32, #tpu.memory_space<vmem>>
    %dma_start3A_86 = tpu.memref_squeeze %dma_start3A_85 : memref<1x1x50x128xf32, #tpu.memory_space<vmem>> -> memref<50x128xf32, #tpu.memory_space<vmem>>
    %dma_start3A_87 = arith.constant 0 : i32
    %dma_start3A_88 = tpu.memref_slice %arg5[%dma_start3A_80, %dma_start3A_87] : memref<512x50xi32, #tpu.memory_space<vmem>> -> memref<1x50xi32, #tpu.memory_space<vmem>>
    %dma_start3A_89 = tpu.memref_squeeze %dma_start3A_88 : memref<1x50xi32, #tpu.memory_space<vmem>> -> memref<50xi32, #tpu.memory_space<vmem>>
    %dma_start3A_90 = arith.constant 0 : i32
    %dma_start3A_91 = arith.constant 0 : i32
    %dma_start3A_92 = tpu.memref_slice %arg2[%dma_start3A_90, %dma_start3A_91] : memref<1000000x128xf32, #tpu.memory_space<hbm>> -> memref<1000000x128xf32, #tpu.memory_space<hbm>>
    tpu.enqueue_indirect_dma source(%dma_start3A_92 : memref<1000000x128xf32, #tpu.memory_space<hbm>>) target(%dma_start3A_86 : memref<50x128xf32, #tpu.memory_space<vmem>>) offsets(%dma_start3A_89 : memref<50xi32, #tpu.memory_space<vmem>>) semaphore(%arg10 : memref<!tpu.dma_semaphore, #tpu.memory_space<semaphore_mem>>)
    %dma_start3A_93 = arith.constant 7 : i32
    %dma_start3A_94 = arith.constant 3 : i32
    %dma_start3A_95 = arith.constant 1 : i32
    %dma_start3A_96 = arith.constant 0 : i32
    %dma_start3A_97 = arith.constant 0 : i32
    %dma_start3A_98 = tpu.memref_slice %arg6[%dma_start3A_94, %dma_start3A_95, %dma_start3A_96, %dma_start3A_97] : memref<8x2x50x128xf32, #tpu.memory_space<vmem>> -> memref<1x1x50x128xf32, #tpu.memory_space<vmem>>
    %dma_start3A_99 = tpu.memref_squeeze %dma_start3A_98 : memref<1x1x50x128xf32, #tpu.memory_space<vmem>> -> memref<50x128xf32, #tpu.memory_space<vmem>>
    %dma_start3A_100 = arith.constant 0 : i32
    %dma_start3A_101 = tpu.memref_slice %arg5[%dma_start3A_93, %dma_start3A_100] : memref<512x50xi32, #tpu.memory_space<vmem>> -> memref<1x50xi32, #tpu.memory_space<vmem>>
    %dma_start3A_102 = tpu.memref_squeeze %dma_start3A_101 : memref<1x50xi32, #tpu.memory_space<vmem>> -> memref<50xi32, #tpu.memory_space<vmem>>
    %dma_start3A_103 = arith.constant 0 : i32
    %dma_start3A_104 = arith.constant 0 : i32
    %dma_start3A_105 = tpu.memref_slice %arg2[%dma_start3A_103, %dma_start3A_104] : memref<1000000x128xf32, #tpu.memory_space<hbm>> -> memref<1000000x128xf32, #tpu.memory_space<hbm>>
    tpu.enqueue_indirect_dma source(%dma_start3A_105 : memref<1000000x128xf32, #tpu.memory_space<hbm>>) target(%dma_start3A_99 : memref<50x128xf32, #tpu.memory_space<vmem>>) offsets(%dma_start3A_102 : memref<50xi32, #tpu.memory_space<vmem>>) semaphore(%arg10 : memref<!tpu.dma_semaphore, #tpu.memory_space<semaphore_mem>>)
    %dma_start3A_106 = arith.constant 8 : i32
    %dma_start3A_107 = arith.constant 4 : i32
    %dma_start3A_108 = arith.constant 0 : i32
    %dma_start3A_109 = arith.constant 0 : i32
    %dma_start3A_110 = arith.constant 0 : i32
    %dma_start3A_111 = tpu.memref_slice %arg6[%dma_start3A_107, %dma_start3A_108, %dma_start3A_109, %dma_start3A_110] : memref<8x2x50x128xf32, #tpu.memory_space<vmem>> -> memref<1x1x50x128xf32, #tpu.memory_space<vmem>>
    %dma_start3A_112 = tpu.memref_squeeze %dma_start3A_111 : memref<1x1x50x128xf32, #tpu.memory_space<vmem>> -> memref<50x128xf32, #tpu.memory_space<vmem>>
    %dma_start3A_113 = arith.constant 0 : i32
    %dma_start3A_114 = tpu.memref_slice %arg5[%dma_start3A_106, %dma_start3A_113] : memref<512x50xi32, #tpu.memory_space<vmem>> -> memref<1x50xi32, #tpu.memory_space<vmem>>
    %dma_start3A_115 = tpu.memref_squeeze %dma_start3A_114 : memref<1x50xi32, #tpu.memory_space<vmem>> -> memref<50xi32, #tpu.memory_space<vmem>>
    %dma_start3A_116 = arith.constant 0 : i32
    %dma_start3A_117 = arith.constant 0 : i32
    %dma_start3A_118 = tpu.memref_slice %arg2[%dma_start3A_116, %dma_start3A_117] : memref<1000000x128xf32, #tpu.memory_space<hbm>> -> memref<1000000x128xf32, #tpu.memory_space<hbm>>
    tpu.enqueue_indirect_dma source(%dma_start3A_118 : memref<1000000x128xf32, #tpu.memory_space<hbm>>) target(%dma_start3A_112 : memref<50x128xf32, #tpu.memory_space<vmem>>) offsets(%dma_start3A_115 : memref<50xi32, #tpu.memory_space<vmem>>) semaphore(%arg11 : memref<!tpu.dma_semaphore, #tpu.memory_space<semaphore_mem>>)
    %dma_start3A_119 = arith.constant 9 : i32
    %dma_start3A_120 = arith.constant 4 : i32
    %dma_start3A_121 = arith.constant 1 : i32
    %dma_start3A_122 = arith.constant 0 : i32
    %dma_start3A_123 = arith.constant 0 : i32
    %dma_start3A_124 = tpu.memref_slice %arg6[%dma_start3A_120, %dma_start3A_121, %dma_start3A_122, %dma_start3A_123] : memref<8x2x50x128xf32, #tpu.memory_space<vmem>> -> memref<1x1x50x128xf32, #tpu.memory_space<vmem>>
    %dma_start3A_125 = tpu.memref_squeeze %dma_start3A_124 : memref<1x1x50x128xf32, #tpu.memory_space<vmem>> -> memref<50x128xf32, #tpu.memory_space<vmem>>
    %dma_start3A_126 = arith.constant 0 : i32
    %dma_start3A_127 = tpu.memref_slice %arg5[%dma_start3A_119, %dma_start3A_126] : memref<512x50xi32, #tpu.memory_space<vmem>> -> memref<1x50xi32, #tpu.memory_space<vmem>>
    %dma_start3A_128 = tpu.memref_squeeze %dma_start3A_127 : memref<1x50xi32, #tpu.memory_space<vmem>> -> memref<50xi32, #tpu.memory_space<vmem>>
    %dma_start3A_129 = arith.constant 0 : i32
    %dma_start3A_130 = arith.constant 0 : i32
    %dma_start3A_131 = tpu.memref_slice %arg2[%dma_start3A_129, %dma_start3A_130] : memref<1000000x128xf32, #tpu.memory_space<hbm>> -> memref<1000000x128xf32, #tpu.memory_space<hbm>>
    tpu.enqueue_indirect_dma source(%dma_start3A_131 : memref<1000000x128xf32, #tpu.memory_space<hbm>>) target(%dma_start3A_125 : memref<50x128xf32, #tpu.memory_space<vmem>>) offsets(%dma_start3A_128 : memref<50xi32, #tpu.memory_space<vmem>>) semaphore(%arg11 : memref<!tpu.dma_semaphore, #tpu.memory_space<semaphore_mem>>)
    %dma_start3A_132 = arith.constant 10 : i32
    %dma_start3A_133 = arith.constant 5 : i32
    %dma_start3A_134 = arith.constant 0 : i32
    %dma_start3A_135 = arith.constant 0 : i32
    %dma_start3A_136 = arith.constant 0 : i32
    %dma_start3A_137 = tpu.memref_slice %arg6[%dma_start3A_133, %dma_start3A_134, %dma_start3A_135, %dma_start3A_136] : memref<8x2x50x128xf32, #tpu.memory_space<vmem>> -> memref<1x1x50x128xf32, #tpu.memory_space<vmem>>
    %dma_start3A_138 = tpu.memref_squeeze %dma_start3A_137 : memref<1x1x50x128xf32, #tpu.memory_space<vmem>> -> memref<50x128xf32, #tpu.memory_space<vmem>>
    %dma_start3A_139 = arith.constant 0 : i32
    %dma_start3A_140 = tpu.memref_slice %arg5[%dma_start3A_132, %dma_start3A_139] : memref<512x50xi32, #tpu.memory_space<vmem>> -> memref<1x50xi32, #tpu.memory_space<vmem>>
    %dma_start3A_141 = tpu.memref_squeeze %dma_start3A_140 : memref<1x50xi32, #tpu.memory_space<vmem>> -> memref<50xi32, #tpu.memory_space<vmem>>
    %dma_start3A_142 = arith.constant 0 : i32
    %dma_start3A_143 = arith.constant 0 : i32
    %dma_start3A_144 = tpu.memref_slice %arg2[%dma_start3A_142, %dma_start3A_143] : memref<1000000x128xf32, #tpu.memory_space<hbm>> -> memref<1000000x128xf32, #tpu.memory_space<hbm>>
    tpu.enqueue_indirect_dma source(%dma_start3A_144 : memref<1000000x128xf32, #tpu.memory_space<hbm>>) target(%dma_start3A_138 : memref<50x128xf32, #tpu.memory_space<vmem>>) offsets(%dma_start3A_141 : memref<50xi32, #tpu.memory_space<vmem>>) semaphore(%arg12 : memref<!tpu.dma_semaphore, #tpu.memory_space<semaphore_mem>>)
    %dma_start3A_145 = arith.constant 11 : i32
    %dma_start3A_146 = arith.constant 5 : i32
    %dma_start3A_147 = arith.constant 1 : i32
    %dma_start3A_148 = arith.constant 0 : i32
    %dma_start3A_149 = arith.constant 0 : i32
    %dma_start3A_150 = tpu.memref_slice %arg6[%dma_start3A_146, %dma_start3A_147, %dma_start3A_148, %dma_start3A_149] : memref<8x2x50x128xf32, #tpu.memory_space<vmem>> -> memref<1x1x50x128xf32, #tpu.memory_space<vmem>>
    %dma_start3A_151 = tpu.memref_squeeze %dma_start3A_150 : memref<1x1x50x128xf32, #tpu.memory_space<vmem>> -> memref<50x128xf32, #tpu.memory_space<vmem>>
    %dma_start3A_152 = arith.constant 0 : i32
    %dma_start3A_153 = tpu.memref_slice %arg5[%dma_start3A_145, %dma_start3A_152] : memref<512x50xi32, #tpu.memory_space<vmem>> -> memref<1x50xi32, #tpu.memory_space<vmem>>
    %dma_start3A_154 = tpu.memref_squeeze %dma_start3A_153 : memref<1x50xi32, #tpu.memory_space<vmem>> -> memref<50xi32, #tpu.memory_space<vmem>>
    %dma_start3A_155 = arith.constant 0 : i32
    %dma_start3A_156 = arith.constant 0 : i32
    %dma_start3A_157 = tpu.memref_slice %arg2[%dma_start3A_155, %dma_start3A_156] : memref<1000000x128xf32, #tpu.memory_space<hbm>> -> memref<1000000x128xf32, #tpu.memory_space<hbm>>
    tpu.enqueue_indirect_dma source(%dma_start3A_157 : memref<1000000x128xf32, #tpu.memory_space<hbm>>) target(%dma_start3A_151 : memref<50x128xf32, #tpu.memory_space<vmem>>) offsets(%dma_start3A_154 : memref<50xi32, #tpu.memory_space<vmem>>) semaphore(%arg12 : memref<!tpu.dma_semaphore, #tpu.memory_space<semaphore_mem>>)
    %dma_start3A_158 = arith.constant 12 : i32
    %dma_start3A_159 = arith.constant 6 : i32
    %dma_start3A_160 = arith.constant 0 : i32
    %dma_start3A_161 = arith.constant 0 : i32
    %dma_start3A_162 = arith.constant 0 : i32
    %dma_start3A_163 = tpu.memref_slice %arg6[%dma_start3A_159, %dma_start3A_160, %dma_start3A_161, %dma_start3A_162] : memref<8x2x50x128xf32, #tpu.memory_space<vmem>> -> memref<1x1x50x128xf32, #tpu.memory_space<vmem>>
    %dma_start3A_164 = tpu.memref_squeeze %dma_start3A_163 : memref<1x1x50x128xf32, #tpu.memory_space<vmem>> -> memref<50x128xf32, #tpu.memory_space<vmem>>
    %dma_start3A_165 = arith.constant 0 : i32
    %dma_start3A_166 = tpu.memref_slice %arg5[%dma_start3A_158, %dma_start3A_165] : memref<512x50xi32, #tpu.memory_space<vmem>> -> memref<1x50xi32, #tpu.memory_space<vmem>>
    %dma_start3A_167 = tpu.memref_squeeze %dma_start3A_166 : memref<1x50xi32, #tpu.memory_space<vmem>> -> memref<50xi32, #tpu.memory_space<vmem>>
    %dma_start3A_168 = arith.constant 0 : i32
    %dma_start3A_169 = arith.constant 0 : i32
    %dma_start3A_170 = tpu.memref_slice %arg2[%dma_start3A_168, %dma_start3A_169] : memref<1000000x128xf32, #tpu.memory_space<hbm>> -> memref<1000000x128xf32, #tpu.memory_space<hbm>>
    tpu.enqueue_indirect_dma source(%dma_start3A_170 : memref<1000000x128xf32, #tpu.memory_space<hbm>>) target(%dma_start3A_164 : memref<50x128xf32, #tpu.memory_space<vmem>>) offsets(%dma_start3A_167 : memref<50xi32, #tpu.memory_space<vmem>>) semaphore(%arg13 : memref<!tpu.dma_semaphore, #tpu.memory_space<semaphore_mem>>)
    %dma_start3A_171 = arith.constant 13 : i32
    %dma_start3A_172 = arith.constant 6 : i32
    %dma_start3A_173 = arith.constant 1 : i32
    %dma_start3A_174 = arith.constant 0 : i32
    %dma_start3A_175 = arith.constant 0 : i32
    %dma_start3A_176 = tpu.memref_slice %arg6[%dma_start3A_172, %dma_start3A_173, %dma_start3A_174, %dma_start3A_175] : memref<8x2x50x128xf32, #tpu.memory_space<vmem>> -> memref<1x1x50x128xf32, #tpu.memory_space<vmem>>
    %dma_start3A_177 = tpu.memref_squeeze %dma_start3A_176 : memref<1x1x50x128xf32, #tpu.memory_space<vmem>> -> memref<50x128xf32, #tpu.memory_space<vmem>>
    %dma_start3A_178 = arith.constant 0 : i32
    %dma_start3A_179 = tpu.memref_slice %arg5[%dma_start3A_171, %dma_start3A_178] : memref<512x50xi32, #tpu.memory_space<vmem>> -> memref<1x50xi32, #tpu.memory_space<vmem>>
    %dma_start3A_180 = tpu.memref_squeeze %dma_start3A_179 : memref<1x50xi32, #tpu.memory_space<vmem>> -> memref<50xi32, #tpu.memory_space<vmem>>
    %dma_start3A_181 = arith.constant 0 : i32
    %dma_start3A_182 = arith.constant 0 : i32
    %dma_start3A_183 = tpu.memref_slice %arg2[%dma_start3A_181, %dma_start3A_182] : memref<1000000x128xf32, #tpu.memory_space<hbm>> -> memref<1000000x128xf32, #tpu.memory_space<hbm>>
    tpu.enqueue_indirect_dma source(%dma_start3A_183 : memref<1000000x128xf32, #tpu.memory_space<hbm>>) target(%dma_start3A_177 : memref<50x128xf32, #tpu.memory_space<vmem>>) offsets(%dma_start3A_180 : memref<50xi32, #tpu.memory_space<vmem>>) semaphore(%arg13 : memref<!tpu.dma_semaphore, #tpu.memory_space<semaphore_mem>>)
    %scan3A = arith.constant 0 : i32
    %scan3A_184 = arith.constant 0 : i32
    %scan3A_185 = arith.constant 32 : i32
    %scan3A_186 = arith.addi %scan3A_184, %scan3A_185 : i32
    %scan3A_187 = arith.constant 1 : i32
    scf.for %scan3A_324 = %scan3A_184 to %scan3A_186 step %scan3A_187  : i32 {
      %mul3A_325 = arith.constant 8 : i32
      %mul3A_326 = arith.muli %mul3A_325, %scan3A_324 : i32
      %add3A_327 = arith.constant 0 : i32
      %add3A_328 = arith.addi %mul3A_326, %add3A_327 : i32
      %add3A_329 = arith.constant 8 : i32
      %add3A_330 = arith.addi %add3A_328, %add3A_329 : i32
      %sub3A = arith.constant 1 : i32
      %sub3A_331 = arith.subi %add3A_330, %sub3A : i32
      %lt3A = arith.constant 256 : i32
      %lt3A_332 = arith.cmpi slt, %sub3A_331, %lt3A : i32
      %ge3A = arith.constant 1 : i32
      %ge3A_333 = arith.cmpi sge, %add3A_328, %ge3A : i32
      %and3A = arith.andi %lt3A_332, %ge3A_333 : i1
      %convert_element_type3A = arith.extui %and3A : i1 to i32
      %cond3A = arith.constant 0 : i32
      %cond3A_334 = arith.cmpi ne, %convert_element_type3A, %cond3A : i32
      scf.if %cond3A_334 {
        %dma_wait3A_751 = arith.constant 7 : i32
        %dma_wait3A_752 = arith.constant 0 : i32
        %dma_wait3A_753 = arith.constant 0 : i32
        %dma_wait3A_754 = arith.constant 0 : i32
        %dma_wait3A_755 = tpu.memref_slice %arg6[%dma_wait3A_751, %dma_wait3A_752, %dma_wait3A_753, %dma_wait3A_754] : memref<8x2x50x128xf32, #tpu.memory_space<vmem>> -> memref<1x2x50x128xf32, #tpu.memory_space<vmem>>
        %dma_wait3A_756 = tpu.memref_squeeze %dma_wait3A_755 : memref<1x2x50x128xf32, #tpu.memory_space<vmem>> -> memref<2x50x128xf32, #tpu.memory_space<vmem>>
        %dma_wait3A_757 = arith.constant 0 : i32
        %dma_wait3A_758 = arith.constant 0 : i32
        %dma_wait3A_759 = tpu.memref_slice %arg4[%mul3A_2, %dma_wait3A_757, %dma_wait3A_758] : memref<16384x56x128xf32, #tpu.memory_space<hbm>> -> memref<2x50x128xf32, #tpu.memory_space<hbm>>
        %dma_wait3A_760 = arith.constant 0 : i32
        %dma_wait3A_761 = arith.constant 0 : i32
        %dma_wait3A_762 = tpu.memref_slice %arg4[%mul3A_2, %dma_wait3A_760, %dma_wait3A_761] : memref<16384x56x128xf32, #tpu.memory_space<hbm>> -> memref<2x50x128xf32, #tpu.memory_space<hbm>>
        %dma_wait3A_763 = arith.constant 0 : i32
        %dma_wait3A_764 = arith.constant 0 : i32
        %dma_wait3A_765 = arith.constant 0 : i32
        %dma_wait3A_766 = tpu.memref_slice %arg6[%dma_wait3A_751, %dma_wait3A_763, %dma_wait3A_764, %dma_wait3A_765] : memref<8x2x50x128xf32, #tpu.memory_space<vmem>> -> memref<1x2x50x128xf32, #tpu.memory_space<vmem>>
        %dma_wait3A_767 = tpu.memref_squeeze %dma_wait3A_766 : memref<1x2x50x128xf32, #tpu.memory_space<vmem>> -> memref<2x50x128xf32, #tpu.memory_space<vmem>>
        tpu.wait_dma2 semaphore(%arg22 : memref<!tpu.dma_semaphore, #tpu.memory_space<semaphore_mem>>) src(%dma_wait3A_767 : memref<2x50x128xf32, #tpu.memory_space<vmem>>) dst(%dma_wait3A_762 : memref<2x50x128xf32, #tpu.memory_space<hbm>>)
      } else {
      }
      %lt3A_335 = arith.constant 256 : i32
      %lt3A_336 = arith.cmpi slt, %sub3A_331, %lt3A_335 : i32
      %convert_element_type3A_337 = arith.extui %lt3A_336 : i1 to i32
      %cond3A_338 = arith.constant 0 : i32
      %cond3A_339 = arith.cmpi ne, %convert_element_type3A_337, %cond3A_338 : i32
      scf.if %cond3A_339 {
        %mul3A_751 = arith.constant 2 : i32
        %mul3A_752 = arith.muli %sub3A_331, %mul3A_751 : i32
        %add3A_753 = arith.constant 0 : i32
        %add3A_754 = arith.addi %mul3A_752, %add3A_753 : i32
        %dma_start3A_755 = arith.constant 7 : i32
        %dma_start3A_756 = arith.constant 0 : i32
        %dma_start3A_757 = arith.constant 0 : i32
        %dma_start3A_758 = arith.constant 0 : i32
        %dma_start3A_759 = tpu.memref_slice %arg6[%dma_start3A_755, %dma_start3A_756, %dma_start3A_757, %dma_start3A_758] : memref<8x2x50x128xf32, #tpu.memory_space<vmem>> -> memref<1x1x50x128xf32, #tpu.memory_space<vmem>>
        %dma_start3A_760 = tpu.memref_squeeze %dma_start3A_759 : memref<1x1x50x128xf32, #tpu.memory_space<vmem>> -> memref<50x128xf32, #tpu.memory_space<vmem>>
        %dma_start3A_761 = arith.constant 0 : i32
        %dma_start3A_762 = tpu.memref_slice %arg5[%add3A_754, %dma_start3A_761] : memref<512x50xi32, #tpu.memory_space<vmem>> -> memref<1x50xi32, #tpu.memory_space<vmem>>
        %dma_start3A_763 = tpu.memref_squeeze %dma_start3A_762 : memref<1x50xi32, #tpu.memory_space<vmem>> -> memref<50xi32, #tpu.memory_space<vmem>>
        %dma_start3A_764 = arith.constant 0 : i32
        %dma_start3A_765 = arith.constant 0 : i32
        %dma_start3A_766 = tpu.memref_slice %arg2[%dma_start3A_764, %dma_start3A_765] : memref<1000000x128xf32, #tpu.memory_space<hbm>> -> memref<1000000x128xf32, #tpu.memory_space<hbm>>
        tpu.enqueue_indirect_dma source(%dma_start3A_766 : memref<1000000x128xf32, #tpu.memory_space<hbm>>) target(%dma_start3A_760 : memref<50x128xf32, #tpu.memory_space<vmem>>) offsets(%dma_start3A_763 : memref<50xi32, #tpu.memory_space<vmem>>) semaphore(%arg14 : memref<!tpu.dma_semaphore, #tpu.memory_space<semaphore_mem>>)
        %mul3A_767 = arith.constant 2 : i32
        %mul3A_768 = arith.muli %sub3A_331, %mul3A_767 : i32
        %add3A_769 = arith.constant 1 : i32
        %add3A_770 = arith.addi %mul3A_768, %add3A_769 : i32
        %dma_start3A_771 = arith.constant 7 : i32
        %dma_start3A_772 = arith.constant 1 : i32
        %dma_start3A_773 = arith.constant 0 : i32
        %dma_start3A_774 = arith.constant 0 : i32
        %dma_start3A_775 = tpu.memref_slice %arg6[%dma_start3A_771, %dma_start3A_772, %dma_start3A_773, %dma_start3A_774] : memref<8x2x50x128xf32, #tpu.memory_space<vmem>> -> memref<1x1x50x128xf32, #tpu.memory_space<vmem>>
        %dma_start3A_776 = tpu.memref_squeeze %dma_start3A_775 : memref<1x1x50x128xf32, #tpu.memory_space<vmem>> -> memref<50x128xf32, #tpu.memory_space<vmem>>
        %dma_start3A_777 = arith.constant 0 : i32
        %dma_start3A_778 = tpu.memref_slice %arg5[%add3A_770, %dma_start3A_777] : memref<512x50xi32, #tpu.memory_space<vmem>> -> memref<1x50xi32, #tpu.memory_space<vmem>>
        %dma_start3A_779 = tpu.memref_squeeze %dma_start3A_778 : memref<1x50xi32, #tpu.memory_space<vmem>> -> memref<50xi32, #tpu.memory_space<vmem>>
        %dma_start3A_780 = arith.constant 0 : i32
        %dma_start3A_781 = arith.constant 0 : i32
        %dma_start3A_782 = tpu.memref_slice %arg2[%dma_start3A_780, %dma_start3A_781] : memref<1000000x128xf32, #tpu.memory_space<hbm>> -> memref<1000000x128xf32, #tpu.memory_space<hbm>>
        tpu.enqueue_indirect_dma source(%dma_start3A_782 : memref<1000000x128xf32, #tpu.memory_space<hbm>>) target(%dma_start3A_776 : memref<50x128xf32, #tpu.memory_space<vmem>>) offsets(%dma_start3A_779 : memref<50xi32, #tpu.memory_space<vmem>>) semaphore(%arg14 : memref<!tpu.dma_semaphore, #tpu.memory_space<semaphore_mem>>)
      } else {
      }
      %dma_wait3A_340 = arith.constant 0 : i32
      %dma_wait3A_341 = arith.constant 0 : i32
      %dma_wait3A_342 = arith.constant 0 : i32
      %dma_wait3A_343 = arith.constant 0 : i32
      %dma_wait3A_344 = arith.constant 0 : i32
      %dma_wait3A_345 = tpu.memref_slice %arg6[%dma_wait3A_341, %dma_wait3A_342, %dma_wait3A_343, %dma_wait3A_344] : memref<8x2x50x128xf32, #tpu.memory_space<vmem>> -> memref<1x2x50x128xf32, #tpu.memory_space<vmem>>
      %dma_wait3A_346 = tpu.memref_squeeze %dma_wait3A_345 : memref<1x2x50x128xf32, #tpu.memory_space<vmem>> -> memref<2x50x128xf32, #tpu.memory_space<vmem>>
      %dma_wait3A_347 = arith.constant 0 : i32
      %dma_wait3A_348 = tpu.memref_slice %arg5[%dma_wait3A_340, %dma_wait3A_347] : memref<512x50xi32, #tpu.memory_space<vmem>> -> memref<1x50xi32, #tpu.memory_space<vmem>>
      %dma_wait3A_349 = tpu.memref_squeeze %dma_wait3A_348 : memref<1x50xi32, #tpu.memory_space<vmem>> -> memref<50xi32, #tpu.memory_space<vmem>>
      %dma_wait3A_350 = arith.constant 0 : i32
      %dma_wait3A_351 = arith.constant 0 : i32
      %dma_wait3A_352 = tpu.memref_slice %arg2[%dma_wait3A_350, %dma_wait3A_351] : memref<1000000x128xf32, #tpu.memory_space<hbm>> -> memref<1000000x128xf32, #tpu.memory_space<hbm>>
      tpu.wait_indirect_dma semaphore(%arg7 : memref<!tpu.dma_semaphore, #tpu.memory_space<semaphore_mem>>) src(%dma_wait3A_352 : memref<1000000x128xf32, #tpu.memory_space<hbm>>) dst(%dma_wait3A_346 : memref<2x50x128xf32, #tpu.memory_space<vmem>>)
      %mul3A_353 = arith.constant 2 : i32
      %mul3A_354 = arith.muli %add3A_328, %mul3A_353 : i32
      %add3A_355 = arith.addi %mul3A_2, %mul3A_354 : i32
      %dma_start3A_356 = arith.constant 0 : i32
      %dma_start3A_357 = arith.constant 0 : i32
      %dma_start3A_358 = arith.constant 0 : i32
      %dma_start3A_359 = arith.constant 0 : i32
      %dma_start3A_360 = tpu.memref_slice %arg6[%dma_start3A_356, %dma_start3A_357, %dma_start3A_358, %dma_start3A_359] : memref<8x2x50x128xf32, #tpu.memory_space<vmem>> -> memref<1x2x50x128xf32, #tpu.memory_space<vmem>>
      %dma_start3A_361 = tpu.memref_squeeze %dma_start3A_360 : memref<1x2x50x128xf32, #tpu.memory_space<vmem>> -> memref<2x50x128xf32, #tpu.memory_space<vmem>>
      %dma_start3A_362 = arith.constant 0 : i32
      %dma_start3A_363 = arith.constant 0 : i32
      %dma_start3A_364 = tpu.memref_slice %arg4[%add3A_355, %dma_start3A_362, %dma_start3A_363] : memref<16384x56x128xf32, #tpu.memory_space<hbm>> -> memref<2x50x128xf32, #tpu.memory_space<hbm>>
      %dma_start3A_365 = arith.constant 0 : i32
      %dma_start3A_366 = arith.constant 0 : i32
      %dma_start3A_367 = tpu.memref_slice %arg4[%add3A_355, %dma_start3A_365, %dma_start3A_366] : memref<16384x56x128xf32, #tpu.memory_space<hbm>> -> memref<2x50x128xf32, #tpu.memory_space<hbm>>
      %dma_start3A_368 = arith.constant 0 : i32
      %dma_start3A_369 = arith.constant 0 : i32
      %dma_start3A_370 = arith.constant 0 : i32
      %dma_start3A_371 = tpu.memref_slice %arg6[%dma_start3A_356, %dma_start3A_368, %dma_start3A_369, %dma_start3A_370] : memref<8x2x50x128xf32, #tpu.memory_space<vmem>> -> memref<1x2x50x128xf32, #tpu.memory_space<vmem>>
      %dma_start3A_372 = tpu.memref_squeeze %dma_start3A_371 : memref<1x2x50x128xf32, #tpu.memory_space<vmem>> -> memref<2x50x128xf32, #tpu.memory_space<vmem>>
      tpu.enqueue_dma source(%dma_start3A_372 : memref<2x50x128xf32, #tpu.memory_space<vmem>>) target(%dma_start3A_367 : memref<2x50x128xf32, #tpu.memory_space<hbm>>) target_semaphore(%arg15 : memref<!tpu.dma_semaphore, #tpu.memory_space<semaphore_mem>>)
      %mul3A_373 = arith.constant 8 : i32
      %mul3A_374 = arith.muli %mul3A_373, %scan3A_324 : i32
      %add3A_375 = arith.constant 1 : i32
      %add3A_376 = arith.addi %mul3A_374, %add3A_375 : i32
      %add3A_377 = arith.constant 8 : i32
      %add3A_378 = arith.addi %add3A_376, %add3A_377 : i32
      %sub3A_379 = arith.constant 1 : i32
      %sub3A_380 = arith.subi %add3A_378, %sub3A_379 : i32
      %lt3A_381 = arith.constant 256 : i32
      %lt3A_382 = arith.cmpi slt, %sub3A_380, %lt3A_381 : i32
      %ge3A_383 = arith.constant 1 : i32
      %ge3A_384 = arith.cmpi sge, %add3A_376, %ge3A_383 : i32
      %and3A_385 = arith.andi %lt3A_382, %ge3A_384 : i1
      %convert_element_type3A_386 = arith.extui %and3A_385 : i1 to i32
      %cond3A_387 = arith.constant 0 : i32
      %cond3A_388 = arith.cmpi ne, %convert_element_type3A_386, %cond3A_387 : i32
      scf.if %cond3A_388 {
        %dma_wait3A_751 = arith.constant 0 : i32
        %dma_wait3A_752 = arith.constant 0 : i32
        %dma_wait3A_753 = arith.constant 0 : i32
        %dma_wait3A_754 = arith.constant 0 : i32
        %dma_wait3A_755 = tpu.memref_slice %arg6[%dma_wait3A_751, %dma_wait3A_752, %dma_wait3A_753, %dma_wait3A_754] : memref<8x2x50x128xf32, #tpu.memory_space<vmem>> -> memref<1x2x50x128xf32, #tpu.memory_space<vmem>>
        %dma_wait3A_756 = tpu.memref_squeeze %dma_wait3A_755 : memref<1x2x50x128xf32, #tpu.memory_space<vmem>> -> memref<2x50x128xf32, #tpu.memory_space<vmem>>
        %dma_wait3A_757 = arith.constant 0 : i32
        %dma_wait3A_758 = arith.constant 0 : i32
        %dma_wait3A_759 = tpu.memref_slice %arg4[%mul3A_2, %dma_wait3A_757, %dma_wait3A_758] : memref<16384x56x128xf32, #tpu.memory_space<hbm>> -> memref<2x50x128xf32, #tpu.memory_space<hbm>>
        %dma_wait3A_760 = arith.constant 0 : i32
        %dma_wait3A_761 = arith.constant 0 : i32
        %dma_wait3A_762 = tpu.memref_slice %arg4[%mul3A_2, %dma_wait3A_760, %dma_wait3A_761] : memref<16384x56x128xf32, #tpu.memory_space<hbm>> -> memref<2x50x128xf32, #tpu.memory_space<hbm>>
        %dma_wait3A_763 = arith.constant 0 : i32
        %dma_wait3A_764 = arith.constant 0 : i32
        %dma_wait3A_765 = arith.constant 0 : i32
        %dma_wait3A_766 = tpu.memref_slice %arg6[%dma_wait3A_751, %dma_wait3A_763, %dma_wait3A_764, %dma_wait3A_765] : memref<8x2x50x128xf32, #tpu.memory_space<vmem>> -> memref<1x2x50x128xf32, #tpu.memory_space<vmem>>
        %dma_wait3A_767 = tpu.memref_squeeze %dma_wait3A_766 : memref<1x2x50x128xf32, #tpu.memory_space<vmem>> -> memref<2x50x128xf32, #tpu.memory_space<vmem>>
        tpu.wait_dma2 semaphore(%arg15 : memref<!tpu.dma_semaphore, #tpu.memory_space<semaphore_mem>>) src(%dma_wait3A_767 : memref<2x50x128xf32, #tpu.memory_space<vmem>>) dst(%dma_wait3A_762 : memref<2x50x128xf32, #tpu.memory_space<hbm>>)
      } else {
      }
      %lt3A_389 = arith.constant 256 : i32
      %lt3A_390 = arith.cmpi slt, %sub3A_380, %lt3A_389 : i32
      %convert_element_type3A_391 = arith.extui %lt3A_390 : i1 to i32
      %cond3A_392 = arith.constant 0 : i32
      %cond3A_393 = arith.cmpi ne, %convert_element_type3A_391, %cond3A_392 : i32
      scf.if %cond3A_393 {
        %mul3A_751 = arith.constant 2 : i32
        %mul3A_752 = arith.muli %sub3A_380, %mul3A_751 : i32
        %add3A_753 = arith.constant 0 : i32
        %add3A_754 = arith.addi %mul3A_752, %add3A_753 : i32
        %dma_start3A_755 = arith.constant 0 : i32
        %dma_start3A_756 = arith.constant 0 : i32
        %dma_start3A_757 = arith.constant 0 : i32
        %dma_start3A_758 = arith.constant 0 : i32
        %dma_start3A_759 = tpu.memref_slice %arg6[%dma_start3A_755, %dma_start3A_756, %dma_start3A_757, %dma_start3A_758] : memref<8x2x50x128xf32, #tpu.memory_space<vmem>> -> memref<1x1x50x128xf32, #tpu.memory_space<vmem>>
        %dma_start3A_760 = tpu.memref_squeeze %dma_start3A_759 : memref<1x1x50x128xf32, #tpu.memory_space<vmem>> -> memref<50x128xf32, #tpu.memory_space<vmem>>
        %dma_start3A_761 = arith.constant 0 : i32
        %dma_start3A_762 = tpu.memref_slice %arg5[%add3A_754, %dma_start3A_761] : memref<512x50xi32, #tpu.memory_space<vmem>> -> memref<1x50xi32, #tpu.memory_space<vmem>>
        %dma_start3A_763 = tpu.memref_squeeze %dma_start3A_762 : memref<1x50xi32, #tpu.memory_space<vmem>> -> memref<50xi32, #tpu.memory_space<vmem>>
        %dma_start3A_764 = arith.constant 0 : i32
        %dma_start3A_765 = arith.constant 0 : i32
        %dma_start3A_766 = tpu.memref_slice %arg2[%dma_start3A_764, %dma_start3A_765] : memref<1000000x128xf32, #tpu.memory_space<hbm>> -> memref<1000000x128xf32, #tpu.memory_space<hbm>>
        tpu.enqueue_indirect_dma source(%dma_start3A_766 : memref<1000000x128xf32, #tpu.memory_space<hbm>>) target(%dma_start3A_760 : memref<50x128xf32, #tpu.memory_space<vmem>>) offsets(%dma_start3A_763 : memref<50xi32, #tpu.memory_space<vmem>>) semaphore(%arg7 : memref<!tpu.dma_semaphore, #tpu.memory_space<semaphore_mem>>)
        %mul3A_767 = arith.constant 2 : i32
        %mul3A_768 = arith.muli %sub3A_380, %mul3A_767 : i32
        %add3A_769 = arith.constant 1 : i32
        %add3A_770 = arith.addi %mul3A_768, %add3A_769 : i32
        %dma_start3A_771 = arith.constant 0 : i32
        %dma_start3A_772 = arith.constant 1 : i32
        %dma_start3A_773 = arith.constant 0 : i32
        %dma_start3A_774 = arith.constant 0 : i32
        %dma_start3A_775 = tpu.memref_slice %arg6[%dma_start3A_771, %dma_start3A_772, %dma_start3A_773, %dma_start3A_774] : memref<8x2x50x128xf32, #tpu.memory_space<vmem>> -> memref<1x1x50x128xf32, #tpu.memory_space<vmem>>
        %dma_start3A_776 = tpu.memref_squeeze %dma_start3A_775 : memref<1x1x50x128xf32, #tpu.memory_space<vmem>> -> memref<50x128xf32, #tpu.memory_space<vmem>>
        %dma_start3A_777 = arith.constant 0 : i32
        %dma_start3A_778 = tpu.memref_slice %arg5[%add3A_770, %dma_start3A_777] : memref<512x50xi32, #tpu.memory_space<vmem>> -> memref<1x50xi32, #tpu.memory_space<vmem>>
        %dma_start3A_779 = tpu.memref_squeeze %dma_start3A_778 : memref<1x50xi32, #tpu.memory_space<vmem>> -> memref<50xi32, #tpu.memory_space<vmem>>
        %dma_start3A_780 = arith.constant 0 : i32
        %dma_start3A_781 = arith.constant 0 : i32
        %dma_start3A_782 = tpu.memref_slice %arg2[%dma_start3A_780, %dma_start3A_781] : memref<1000000x128xf32, #tpu.memory_space<hbm>> -> memref<1000000x128xf32, #tpu.memory_space<hbm>>
        tpu.enqueue_indirect_dma source(%dma_start3A_782 : memref<1000000x128xf32, #tpu.memory_space<hbm>>) target(%dma_start3A_776 : memref<50x128xf32, #tpu.memory_space<vmem>>) offsets(%dma_start3A_779 : memref<50xi32, #tpu.memory_space<vmem>>) semaphore(%arg7 : memref<!tpu.dma_semaphore, #tpu.memory_space<semaphore_mem>>)
      } else {
      }
      %dma_wait3A_394 = arith.constant 0 : i32
      %dma_wait3A_395 = arith.constant 1 : i32
      %dma_wait3A_396 = arith.constant 0 : i32
      %dma_wait3A_397 = arith.constant 0 : i32
      %dma_wait3A_398 = arith.constant 0 : i32
      %dma_wait3A_399 = tpu.memref_slice %arg6[%dma_wait3A_395, %dma_wait3A_396, %dma_wait3A_397, %dma_wait3A_398] : memref<8x2x50x128xf32, #tpu.memory_space<vmem>> -> memref<1x2x50x128xf32, #tpu.memory_space<vmem>>
      %dma_wait3A_400 = tpu.memref_squeeze %dma_wait3A_399 : memref<1x2x50x128xf32, #tpu.memory_space<vmem>> -> memref<2x50x128xf32, #tpu.memory_space<vmem>>
      %dma_wait3A_401 = arith.constant 0 : i32
      %dma_wait3A_402 = tpu.memref_slice %arg5[%dma_wait3A_394, %dma_wait3A_401] : memref<512x50xi32, #tpu.memory_space<vmem>> -> memref<1x50xi32, #tpu.memory_space<vmem>>
      %dma_wait3A_403 = tpu.memref_squeeze %dma_wait3A_402 : memref<1x50xi32, #tpu.memory_space<vmem>> -> memref<50xi32, #tpu.memory_space<vmem>>
      %dma_wait3A_404 = arith.constant 0 : i32
      %dma_wait3A_405 = arith.constant 0 : i32
      %dma_wait3A_406 = tpu.memref_slice %arg2[%dma_wait3A_404, %dma_wait3A_405] : memref<1000000x128xf32, #tpu.memory_space<hbm>> -> memref<1000000x128xf32, #tpu.memory_space<hbm>>
      tpu.wait_indirect_dma semaphore(%arg8 : memref<!tpu.dma_semaphore, #tpu.memory_space<semaphore_mem>>) src(%dma_wait3A_406 : memref<1000000x128xf32, #tpu.memory_space<hbm>>) dst(%dma_wait3A_400 : memref<2x50x128xf32, #tpu.memory_space<vmem>>)
      %mul3A_407 = arith.constant 2 : i32
      %mul3A_408 = arith.muli %add3A_376, %mul3A_407 : i32
      %add3A_409 = arith.addi %mul3A_2, %mul3A_408 : i32
      %dma_start3A_410 = arith.constant 1 : i32
      %dma_start3A_411 = arith.constant 0 : i32
      %dma_start3A_412 = arith.constant 0 : i32
      %dma_start3A_413 = arith.constant 0 : i32
      %dma_start3A_414 = tpu.memref_slice %arg6[%dma_start3A_410, %dma_start3A_411, %dma_start3A_412, %dma_start3A_413] : memref<8x2x50x128xf32, #tpu.memory_space<vmem>> -> memref<1x2x50x128xf32, #tpu.memory_space<vmem>>
      %dma_start3A_415 = tpu.memref_squeeze %dma_start3A_414 : memref<1x2x50x128xf32, #tpu.memory_space<vmem>> -> memref<2x50x128xf32, #tpu.memory_space<vmem>>
      %dma_start3A_416 = arith.constant 0 : i32
      %dma_start3A_417 = arith.constant 0 : i32
      %dma_start3A_418 = tpu.memref_slice %arg4[%add3A_409, %dma_start3A_416, %dma_start3A_417] : memref<16384x56x128xf32, #tpu.memory_space<hbm>> -> memref<2x50x128xf32, #tpu.memory_space<hbm>>
      %dma_start3A_419 = arith.constant 0 : i32
      %dma_start3A_420 = arith.constant 0 : i32
      %dma_start3A_421 = tpu.memref_slice %arg4[%add3A_409, %dma_start3A_419, %dma_start3A_420] : memref<16384x56x128xf32, #tpu.memory_space<hbm>> -> memref<2x50x128xf32, #tpu.memory_space<hbm>>
      %dma_start3A_422 = arith.constant 0 : i32
      %dma_start3A_423 = arith.constant 0 : i32
      %dma_start3A_424 = arith.constant 0 : i32
      %dma_start3A_425 = tpu.memref_slice %arg6[%dma_start3A_410, %dma_start3A_422, %dma_start3A_423, %dma_start3A_424] : memref<8x2x50x128xf32, #tpu.memory_space<vmem>> -> memref<1x2x50x128xf32, #tpu.memory_space<vmem>>
      %dma_start3A_426 = tpu.memref_squeeze %dma_start3A_425 : memref<1x2x50x128xf32, #tpu.memory_space<vmem>> -> memref<2x50x128xf32, #tpu.memory_space<vmem>>
      tpu.enqueue_dma source(%dma_start3A_426 : memref<2x50x128xf32, #tpu.memory_space<vmem>>) target(%dma_start3A_421 : memref<2x50x128xf32, #tpu.memory_space<hbm>>) target_semaphore(%arg16 : memref<!tpu.dma_semaphore, #tpu.memory_space<semaphore_mem>>)
      %mul3A_427 = arith.constant 8 : i32
      %mul3A_428 = arith.muli %mul3A_427, %scan3A_324 : i32
      %add3A_429 = arith.constant 2 : i32
      %add3A_430 = arith.addi %mul3A_428, %add3A_429 : i32
      %add3A_431 = arith.constant 8 : i32
      %add3A_432 = arith.addi %add3A_430, %add3A_431 : i32
      %sub3A_433 = arith.constant 1 : i32
      %sub3A_434 = arith.subi %add3A_432, %sub3A_433 : i32
      %lt3A_435 = arith.constant 256 : i32
      %lt3A_436 = arith.cmpi slt, %sub3A_434, %lt3A_435 : i32
      %ge3A_437 = arith.constant 1 : i32
      %ge3A_438 = arith.cmpi sge, %add3A_430, %ge3A_437 : i32
      %and3A_439 = arith.andi %lt3A_436, %ge3A_438 : i1
      %convert_element_type3A_440 = arith.extui %and3A_439 : i1 to i32
      %cond3A_441 = arith.constant 0 : i32
      %cond3A_442 = arith.cmpi ne, %convert_element_type3A_440, %cond3A_441 : i32
      scf.if %cond3A_442 {
        %dma_wait3A_751 = arith.constant 1 : i32
        %dma_wait3A_752 = arith.constant 0 : i32
        %dma_wait3A_753 = arith.constant 0 : i32
        %dma_wait3A_754 = arith.constant 0 : i32
        %dma_wait3A_755 = tpu.memref_slice %arg6[%dma_wait3A_751, %dma_wait3A_752, %dma_wait3A_753, %dma_wait3A_754] : memref<8x2x50x128xf32, #tpu.memory_space<vmem>> -> memref<1x2x50x128xf32, #tpu.memory_space<vmem>>
        %dma_wait3A_756 = tpu.memref_squeeze %dma_wait3A_755 : memref<1x2x50x128xf32, #tpu.memory_space<vmem>> -> memref<2x50x128xf32, #tpu.memory_space<vmem>>
        %dma_wait3A_757 = arith.constant 0 : i32
        %dma_wait3A_758 = arith.constant 0 : i32
        %dma_wait3A_759 = tpu.memref_slice %arg4[%mul3A_2, %dma_wait3A_757, %dma_wait3A_758] : memref<16384x56x128xf32, #tpu.memory_space<hbm>> -> memref<2x50x128xf32, #tpu.memory_space<hbm>>
        %dma_wait3A_760 = arith.constant 0 : i32
        %dma_wait3A_761 = arith.constant 0 : i32
        %dma_wait3A_762 = tpu.memref_slice %arg4[%mul3A_2, %dma_wait3A_760, %dma_wait3A_761] : memref<16384x56x128xf32, #tpu.memory_space<hbm>> -> memref<2x50x128xf32, #tpu.memory_space<hbm>>
        %dma_wait3A_763 = arith.constant 0 : i32
        %dma_wait3A_764 = arith.constant 0 : i32
        %dma_wait3A_765 = arith.constant 0 : i32
        %dma_wait3A_766 = tpu.memref_slice %arg6[%dma_wait3A_751, %dma_wait3A_763, %dma_wait3A_764, %dma_wait3A_765] : memref<8x2x50x128xf32, #tpu.memory_space<vmem>> -> memref<1x2x50x128xf32, #tpu.memory_space<vmem>>
        %dma_wait3A_767 = tpu.memref_squeeze %dma_wait3A_766 : memref<1x2x50x128xf32, #tpu.memory_space<vmem>> -> memref<2x50x128xf32, #tpu.memory_space<vmem>>
        tpu.wait_dma2 semaphore(%arg16 : memref<!tpu.dma_semaphore, #tpu.memory_space<semaphore_mem>>) src(%dma_wait3A_767 : memref<2x50x128xf32, #tpu.memory_space<vmem>>) dst(%dma_wait3A_762 : memref<2x50x128xf32, #tpu.memory_space<hbm>>)
      } else {
      }
      %lt3A_443 = arith.constant 256 : i32
      %lt3A_444 = arith.cmpi slt, %sub3A_434, %lt3A_443 : i32
      %convert_element_type3A_445 = arith.extui %lt3A_444 : i1 to i32
      %cond3A_446 = arith.constant 0 : i32
      %cond3A_447 = arith.cmpi ne, %convert_element_type3A_445, %cond3A_446 : i32
      scf.if %cond3A_447 {
        %mul3A_751 = arith.constant 2 : i32
        %mul3A_752 = arith.muli %sub3A_434, %mul3A_751 : i32
        %add3A_753 = arith.constant 0 : i32
        %add3A_754 = arith.addi %mul3A_752, %add3A_753 : i32
        %dma_start3A_755 = arith.constant 1 : i32
        %dma_start3A_756 = arith.constant 0 : i32
        %dma_start3A_757 = arith.constant 0 : i32
        %dma_start3A_758 = arith.constant 0 : i32
        %dma_start3A_759 = tpu.memref_slice %arg6[%dma_start3A_755, %dma_start3A_756, %dma_start3A_757, %dma_start3A_758] : memref<8x2x50x128xf32, #tpu.memory_space<vmem>> -> memref<1x1x50x128xf32, #tpu.memory_space<vmem>>
        %dma_start3A_760 = tpu.memref_squeeze %dma_start3A_759 : memref<1x1x50x128xf32, #tpu.memory_space<vmem>> -> memref<50x128xf32, #tpu.memory_space<vmem>>
        %dma_start3A_761 = arith.constant 0 : i32
        %dma_start3A_762 = tpu.memref_slice %arg5[%add3A_754, %dma_start3A_761] : memref<512x50xi32, #tpu.memory_space<vmem>> -> memref<1x50xi32, #tpu.memory_space<vmem>>
        %dma_start3A_763 = tpu.memref_squeeze %dma_start3A_762 : memref<1x50xi32, #tpu.memory_space<vmem>> -> memref<50xi32, #tpu.memory_space<vmem>>
        %dma_start3A_764 = arith.constant 0 : i32
        %dma_start3A_765 = arith.constant 0 : i32
        %dma_start3A_766 = tpu.memref_slice %arg2[%dma_start3A_764, %dma_start3A_765] : memref<1000000x128xf32, #tpu.memory_space<hbm>> -> memref<1000000x128xf32, #tpu.memory_space<hbm>>
        tpu.enqueue_indirect_dma source(%dma_start3A_766 : memref<1000000x128xf32, #tpu.memory_space<hbm>>) target(%dma_start3A_760 : memref<50x128xf32, #tpu.memory_space<vmem>>) offsets(%dma_start3A_763 : memref<50xi32, #tpu.memory_space<vmem>>) semaphore(%arg8 : memref<!tpu.dma_semaphore, #tpu.memory_space<semaphore_mem>>)
        %mul3A_767 = arith.constant 2 : i32
        %mul3A_768 = arith.muli %sub3A_434, %mul3A_767 : i32
        %add3A_769 = arith.constant 1 : i32
        %add3A_770 = arith.addi %mul3A_768, %add3A_769 : i32
        %dma_start3A_771 = arith.constant 1 : i32
        %dma_start3A_772 = arith.constant 1 : i32
        %dma_start3A_773 = arith.constant 0 : i32
        %dma_start3A_774 = arith.constant 0 : i32
        %dma_start3A_775 = tpu.memref_slice %arg6[%dma_start3A_771, %dma_start3A_772, %dma_start3A_773, %dma_start3A_774] : memref<8x2x50x128xf32, #tpu.memory_space<vmem>> -> memref<1x1x50x128xf32, #tpu.memory_space<vmem>>
        %dma_start3A_776 = tpu.memref_squeeze %dma_start3A_775 : memref<1x1x50x128xf32, #tpu.memory_space<vmem>> -> memref<50x128xf32, #tpu.memory_space<vmem>>
        %dma_start3A_777 = arith.constant 0 : i32
        %dma_start3A_778 = tpu.memref_slice %arg5[%add3A_770, %dma_start3A_777] : memref<512x50xi32, #tpu.memory_space<vmem>> -> memref<1x50xi32, #tpu.memory_space<vmem>>
        %dma_start3A_779 = tpu.memref_squeeze %dma_start3A_778 : memref<1x50xi32, #tpu.memory_space<vmem>> -> memref<50xi32, #tpu.memory_space<vmem>>
        %dma_start3A_780 = arith.constant 0 : i32
        %dma_start3A_781 = arith.constant 0 : i32
        %dma_start3A_782 = tpu.memref_slice %arg2[%dma_start3A_780, %dma_start3A_781] : memref<1000000x128xf32, #tpu.memory_space<hbm>> -> memref<1000000x128xf32, #tpu.memory_space<hbm>>
        tpu.enqueue_indirect_dma source(%dma_start3A_782 : memref<1000000x128xf32, #tpu.memory_space<hbm>>) target(%dma_start3A_776 : memref<50x128xf32, #tpu.memory_space<vmem>>) offsets(%dma_start3A_779 : memref<50xi32, #tpu.memory_space<vmem>>) semaphore(%arg8 : memref<!tpu.dma_semaphore, #tpu.memory_space<semaphore_mem>>)
      } else {
      }
      %dma_wait3A_448 = arith.constant 0 : i32
      %dma_wait3A_449 = arith.constant 2 : i32
      %dma_wait3A_450 = arith.constant 0 : i32
      %dma_wait3A_451 = arith.constant 0 : i32
      %dma_wait3A_452 = arith.constant 0 : i32
      %dma_wait3A_453 = tpu.memref_slice %arg6[%dma_wait3A_449, %dma_wait3A_450, %dma_wait3A_451, %dma_wait3A_452] : memref<8x2x50x128xf32, #tpu.memory_space<vmem>> -> memref<1x2x50x128xf32, #tpu.memory_space<vmem>>
      %dma_wait3A_454 = tpu.memref_squeeze %dma_wait3A_453 : memref<1x2x50x128xf32, #tpu.memory_space<vmem>> -> memref<2x50x128xf32, #tpu.memory_space<vmem>>
      %dma_wait3A_455 = arith.constant 0 : i32
      %dma_wait3A_456 = tpu.memref_slice %arg5[%dma_wait3A_448, %dma_wait3A_455] : memref<512x50xi32, #tpu.memory_space<vmem>> -> memref<1x50xi32, #tpu.memory_space<vmem>>
      %dma_wait3A_457 = tpu.memref_squeeze %dma_wait3A_456 : memref<1x50xi32, #tpu.memory_space<vmem>> -> memref<50xi32, #tpu.memory_space<vmem>>
      %dma_wait3A_458 = arith.constant 0 : i32
      %dma_wait3A_459 = arith.constant 0 : i32
      %dma_wait3A_460 = tpu.memref_slice %arg2[%dma_wait3A_458, %dma_wait3A_459] : memref<1000000x128xf32, #tpu.memory_space<hbm>> -> memref<1000000x128xf32, #tpu.memory_space<hbm>>
      tpu.wait_indirect_dma semaphore(%arg9 : memref<!tpu.dma_semaphore, #tpu.memory_space<semaphore_mem>>) src(%dma_wait3A_460 : memref<1000000x128xf32, #tpu.memory_space<hbm>>) dst(%dma_wait3A_454 : memref<2x50x128xf32, #tpu.memory_space<vmem>>)
      %mul3A_461 = arith.constant 2 : i32
      %mul3A_462 = arith.muli %add3A_430, %mul3A_461 : i32
      %add3A_463 = arith.addi %mul3A_2, %mul3A_462 : i32
      %dma_start3A_464 = arith.constant 2 : i32
      %dma_start3A_465 = arith.constant 0 : i32
      %dma_start3A_466 = arith.constant 0 : i32
      %dma_start3A_467 = arith.constant 0 : i32
      %dma_start3A_468 = tpu.memref_slice %arg6[%dma_start3A_464, %dma_start3A_465, %dma_start3A_466, %dma_start3A_467] : memref<8x2x50x128xf32, #tpu.memory_space<vmem>> -> memref<1x2x50x128xf32, #tpu.memory_space<vmem>>
      %dma_start3A_469 = tpu.memref_squeeze %dma_start3A_468 : memref<1x2x50x128xf32, #tpu.memory_space<vmem>> -> memref<2x50x128xf32, #tpu.memory_space<vmem>>
      %dma_start3A_470 = arith.constant 0 : i32
      %dma_start3A_471 = arith.constant 0 : i32
      %dma_start3A_472 = tpu.memref_slice %arg4[%add3A_463, %dma_start3A_470, %dma_start3A_471] : memref<16384x56x128xf32, #tpu.memory_space<hbm>> -> memref<2x50x128xf32, #tpu.memory_space<hbm>>
      %dma_start3A_473 = arith.constant 0 : i32
      %dma_start3A_474 = arith.constant 0 : i32
      %dma_start3A_475 = tpu.memref_slice %arg4[%add3A_463, %dma_start3A_473, %dma_start3A_474] : memref<16384x56x128xf32, #tpu.memory_space<hbm>> -> memref<2x50x128xf32, #tpu.memory_space<hbm>>
      %dma_start3A_476 = arith.constant 0 : i32
      %dma_start3A_477 = arith.constant 0 : i32
      %dma_start3A_478 = arith.constant 0 : i32
      %dma_start3A_479 = tpu.memref_slice %arg6[%dma_start3A_464, %dma_start3A_476, %dma_start3A_477, %dma_start3A_478] : memref<8x2x50x128xf32, #tpu.memory_space<vmem>> -> memref<1x2x50x128xf32, #tpu.memory_space<vmem>>
      %dma_start3A_480 = tpu.memref_squeeze %dma_start3A_479 : memref<1x2x50x128xf32, #tpu.memory_space<vmem>> -> memref<2x50x128xf32, #tpu.memory_space<vmem>>
      tpu.enqueue_dma source(%dma_start3A_480 : memref<2x50x128xf32, #tpu.memory_space<vmem>>) target(%dma_start3A_475 : memref<2x50x128xf32, #tpu.memory_space<hbm>>) target_semaphore(%arg17 : memref<!tpu.dma_semaphore, #tpu.memory_space<semaphore_mem>>)
      %mul3A_481 = arith.constant 8 : i32
      %mul3A_482 = arith.muli %mul3A_481, %scan3A_324 : i32
      %add3A_483 = arith.constant 3 : i32
      %add3A_484 = arith.addi %mul3A_482, %add3A_483 : i32
      %add3A_485 = arith.constant 8 : i32
      %add3A_486 = arith.addi %add3A_484, %add3A_485 : i32
      %sub3A_487 = arith.constant 1 : i32
      %sub3A_488 = arith.subi %add3A_486, %sub3A_487 : i32
      %lt3A_489 = arith.constant 256 : i32
      %lt3A_490 = arith.cmpi slt, %sub3A_488, %lt3A_489 : i32
      %ge3A_491 = arith.constant 1 : i32
      %ge3A_492 = arith.cmpi sge, %add3A_484, %ge3A_491 : i32
      %and3A_493 = arith.andi %lt3A_490, %ge3A_492 : i1
      %convert_element_type3A_494 = arith.extui %and3A_493 : i1 to i32
      %cond3A_495 = arith.constant 0 : i32
      %cond3A_496 = arith.cmpi ne, %convert_element_type3A_494, %cond3A_495 : i32
      scf.if %cond3A_496 {
        %dma_wait3A_751 = arith.constant 2 : i32
        %dma_wait3A_752 = arith.constant 0 : i32
        %dma_wait3A_753 = arith.constant 0 : i32
        %dma_wait3A_754 = arith.constant 0 : i32
        %dma_wait3A_755 = tpu.memref_slice %arg6[%dma_wait3A_751, %dma_wait3A_752, %dma_wait3A_753, %dma_wait3A_754] : memref<8x2x50x128xf32, #tpu.memory_space<vmem>> -> memref<1x2x50x128xf32, #tpu.memory_space<vmem>>
        %dma_wait3A_756 = tpu.memref_squeeze %dma_wait3A_755 : memref<1x2x50x128xf32, #tpu.memory_space<vmem>> -> memref<2x50x128xf32, #tpu.memory_space<vmem>>
        %dma_wait3A_757 = arith.constant 0 : i32
        %dma_wait3A_758 = arith.constant 0 : i32
        %dma_wait3A_759 = tpu.memref_slice %arg4[%mul3A_2, %dma_wait3A_757, %dma_wait3A_758] : memref<16384x56x128xf32, #tpu.memory_space<hbm>> -> memref<2x50x128xf32, #tpu.memory_space<hbm>>
        %dma_wait3A_760 = arith.constant 0 : i32
        %dma_wait3A_761 = arith.constant 0 : i32
        %dma_wait3A_762 = tpu.memref_slice %arg4[%mul3A_2, %dma_wait3A_760, %dma_wait3A_761] : memref<16384x56x128xf32, #tpu.memory_space<hbm>> -> memref<2x50x128xf32, #tpu.memory_space<hbm>>
        %dma_wait3A_763 = arith.constant 0 : i32
        %dma_wait3A_764 = arith.constant 0 : i32
        %dma_wait3A_765 = arith.constant 0 : i32
        %dma_wait3A_766 = tpu.memref_slice %arg6[%dma_wait3A_751, %dma_wait3A_763, %dma_wait3A_764, %dma_wait3A_765] : memref<8x2x50x128xf32, #tpu.memory_space<vmem>> -> memref<1x2x50x128xf32, #tpu.memory_space<vmem>>
        %dma_wait3A_767 = tpu.memref_squeeze %dma_wait3A_766 : memref<1x2x50x128xf32, #tpu.memory_space<vmem>> -> memref<2x50x128xf32, #tpu.memory_space<vmem>>
        tpu.wait_dma2 semaphore(%arg17 : memref<!tpu.dma_semaphore, #tpu.memory_space<semaphore_mem>>) src(%dma_wait3A_767 : memref<2x50x128xf32, #tpu.memory_space<vmem>>) dst(%dma_wait3A_762 : memref<2x50x128xf32, #tpu.memory_space<hbm>>)
      } else {
      }
      %lt3A_497 = arith.constant 256 : i32
      %lt3A_498 = arith.cmpi slt, %sub3A_488, %lt3A_497 : i32
      %convert_element_type3A_499 = arith.extui %lt3A_498 : i1 to i32
      %cond3A_500 = arith.constant 0 : i32
      %cond3A_501 = arith.cmpi ne, %convert_element_type3A_499, %cond3A_500 : i32
      scf.if %cond3A_501 {
        %mul3A_751 = arith.constant 2 : i32
        %mul3A_752 = arith.muli %sub3A_488, %mul3A_751 : i32
        %add3A_753 = arith.constant 0 : i32
        %add3A_754 = arith.addi %mul3A_752, %add3A_753 : i32
        %dma_start3A_755 = arith.constant 2 : i32
        %dma_start3A_756 = arith.constant 0 : i32
        %dma_start3A_757 = arith.constant 0 : i32
        %dma_start3A_758 = arith.constant 0 : i32
        %dma_start3A_759 = tpu.memref_slice %arg6[%dma_start3A_755, %dma_start3A_756, %dma_start3A_757, %dma_start3A_758] : memref<8x2x50x128xf32, #tpu.memory_space<vmem>> -> memref<1x1x50x128xf32, #tpu.memory_space<vmem>>
        %dma_start3A_760 = tpu.memref_squeeze %dma_start3A_759 : memref<1x1x50x128xf32, #tpu.memory_space<vmem>> -> memref<50x128xf32, #tpu.memory_space<vmem>>
        %dma_start3A_761 = arith.constant 0 : i32
        %dma_start3A_762 = tpu.memref_slice %arg5[%add3A_754, %dma_start3A_761] : memref<512x50xi32, #tpu.memory_space<vmem>> -> memref<1x50xi32, #tpu.memory_space<vmem>>
        %dma_start3A_763 = tpu.memref_squeeze %dma_start3A_762 : memref<1x50xi32, #tpu.memory_space<vmem>> -> memref<50xi32, #tpu.memory_space<vmem>>
        %dma_start3A_764 = arith.constant 0 : i32
        %dma_start3A_765 = arith.constant 0 : i32
        %dma_start3A_766 = tpu.memref_slice %arg2[%dma_start3A_764, %dma_start3A_765] : memref<1000000x128xf32, #tpu.memory_space<hbm>> -> memref<1000000x128xf32, #tpu.memory_space<hbm>>
        tpu.enqueue_indirect_dma source(%dma_start3A_766 : memref<1000000x128xf32, #tpu.memory_space<hbm>>) target(%dma_start3A_760 : memref<50x128xf32, #tpu.memory_space<vmem>>) offsets(%dma_start3A_763 : memref<50xi32, #tpu.memory_space<vmem>>) semaphore(%arg9 : memref<!tpu.dma_semaphore, #tpu.memory_space<semaphore_mem>>)
        %mul3A_767 = arith.constant 2 : i32
        %mul3A_768 = arith.muli %sub3A_488, %mul3A_767 : i32
        %add3A_769 = arith.constant 1 : i32
        %add3A_770 = arith.addi %mul3A_768, %add3A_769 : i32
        %dma_start3A_771 = arith.constant 2 : i32
        %dma_start3A_772 = arith.constant 1 : i32
        %dma_start3A_773 = arith.constant 0 : i32
        %dma_start3A_774 = arith.constant 0 : i32
        %dma_start3A_775 = tpu.memref_slice %arg6[%dma_start3A_771, %dma_start3A_772, %dma_start3A_773, %dma_start3A_774] : memref<8x2x50x128xf32, #tpu.memory_space<vmem>> -> memref<1x1x50x128xf32, #tpu.memory_space<vmem>>
        %dma_start3A_776 = tpu.memref_squeeze %dma_start3A_775 : memref<1x1x50x128xf32, #tpu.memory_space<vmem>> -> memref<50x128xf32, #tpu.memory_space<vmem>>
        %dma_start3A_777 = arith.constant 0 : i32
        %dma_start3A_778 = tpu.memref_slice %arg5[%add3A_770, %dma_start3A_777] : memref<512x50xi32, #tpu.memory_space<vmem>> -> memref<1x50xi32, #tpu.memory_space<vmem>>
        %dma_start3A_779 = tpu.memref_squeeze %dma_start3A_778 : memref<1x50xi32, #tpu.memory_space<vmem>> -> memref<50xi32, #tpu.memory_space<vmem>>
        %dma_start3A_780 = arith.constant 0 : i32
        %dma_start3A_781 = arith.constant 0 : i32
        %dma_start3A_782 = tpu.memref_slice %arg2[%dma_start3A_780, %dma_start3A_781] : memref<1000000x128xf32, #tpu.memory_space<hbm>> -> memref<1000000x128xf32, #tpu.memory_space<hbm>>
        tpu.enqueue_indirect_dma source(%dma_start3A_782 : memref<1000000x128xf32, #tpu.memory_space<hbm>>) target(%dma_start3A_776 : memref<50x128xf32, #tpu.memory_space<vmem>>) offsets(%dma_start3A_779 : memref<50xi32, #tpu.memory_space<vmem>>) semaphore(%arg9 : memref<!tpu.dma_semaphore, #tpu.memory_space<semaphore_mem>>)
      } else {
      }
      %dma_wait3A_502 = arith.constant 0 : i32
      %dma_wait3A_503 = arith.constant 3 : i32
      %dma_wait3A_504 = arith.constant 0 : i32
      %dma_wait3A_505 = arith.constant 0 : i32
      %dma_wait3A_506 = arith.constant 0 : i32
      %dma_wait3A_507 = tpu.memref_slice %arg6[%dma_wait3A_503, %dma_wait3A_504, %dma_wait3A_505, %dma_wait3A_506] : memref<8x2x50x128xf32, #tpu.memory_space<vmem>> -> memref<1x2x50x128xf32, #tpu.memory_space<vmem>>
      %dma_wait3A_508 = tpu.memref_squeeze %dma_wait3A_507 : memref<1x2x50x128xf32, #tpu.memory_space<vmem>> -> memref<2x50x128xf32, #tpu.memory_space<vmem>>
      %dma_wait3A_509 = arith.constant 0 : i32
      %dma_wait3A_510 = tpu.memref_slice %arg5[%dma_wait3A_502, %dma_wait3A_509] : memref<512x50xi32, #tpu.memory_space<vmem>> -> memref<1x50xi32, #tpu.memory_space<vmem>>
      %dma_wait3A_511 = tpu.memref_squeeze %dma_wait3A_510 : memref<1x50xi32, #tpu.memory_space<vmem>> -> memref<50xi32, #tpu.memory_space<vmem>>
      %dma_wait3A_512 = arith.constant 0 : i32
      %dma_wait3A_513 = arith.constant 0 : i32
      %dma_wait3A_514 = tpu.memref_slice %arg2[%dma_wait3A_512, %dma_wait3A_513] : memref<1000000x128xf32, #tpu.memory_space<hbm>> -> memref<1000000x128xf32, #tpu.memory_space<hbm>>
      tpu.wait_indirect_dma semaphore(%arg10 : memref<!tpu.dma_semaphore, #tpu.memory_space<semaphore_mem>>) src(%dma_wait3A_514 : memref<1000000x128xf32, #tpu.memory_space<hbm>>) dst(%dma_wait3A_508 : memref<2x50x128xf32, #tpu.memory_space<vmem>>)
      %mul3A_515 = arith.constant 2 : i32
      %mul3A_516 = arith.muli %add3A_484, %mul3A_515 : i32
      %add3A_517 = arith.addi %mul3A_2, %mul3A_516 : i32
      %dma_start3A_518 = arith.constant 3 : i32
      %dma_start3A_519 = arith.constant 0 : i32
      %dma_start3A_520 = arith.constant 0 : i32
      %dma_start3A_521 = arith.constant 0 : i32
      %dma_start3A_522 = tpu.memref_slice %arg6[%dma_start3A_518, %dma_start3A_519, %dma_start3A_520, %dma_start3A_521] : memref<8x2x50x128xf32, #tpu.memory_space<vmem>> -> memref<1x2x50x128xf32, #tpu.memory_space<vmem>>
      %dma_start3A_523 = tpu.memref_squeeze %dma_start3A_522 : memref<1x2x50x128xf32, #tpu.memory_space<vmem>> -> memref<2x50x128xf32, #tpu.memory_space<vmem>>
      %dma_start3A_524 = arith.constant 0 : i32
      %dma_start3A_525 = arith.constant 0 : i32
      %dma_start3A_526 = tpu.memref_slice %arg4[%add3A_517, %dma_start3A_524, %dma_start3A_525] : memref<16384x56x128xf32, #tpu.memory_space<hbm>> -> memref<2x50x128xf32, #tpu.memory_space<hbm>>
      %dma_start3A_527 = arith.constant 0 : i32
      %dma_start3A_528 = arith.constant 0 : i32
      %dma_start3A_529 = tpu.memref_slice %arg4[%add3A_517, %dma_start3A_527, %dma_start3A_528] : memref<16384x56x128xf32, #tpu.memory_space<hbm>> -> memref<2x50x128xf32, #tpu.memory_space<hbm>>
      %dma_start3A_530 = arith.constant 0 : i32
      %dma_start3A_531 = arith.constant 0 : i32
      %dma_start3A_532 = arith.constant 0 : i32
      %dma_start3A_533 = tpu.memref_slice %arg6[%dma_start3A_518, %dma_start3A_530, %dma_start3A_531, %dma_start3A_532] : memref<8x2x50x128xf32, #tpu.memory_space<vmem>> -> memref<1x2x50x128xf32, #tpu.memory_space<vmem>>
      %dma_start3A_534 = tpu.memref_squeeze %dma_start3A_533 : memref<1x2x50x128xf32, #tpu.memory_space<vmem>> -> memref<2x50x128xf32, #tpu.memory_space<vmem>>
      tpu.enqueue_dma source(%dma_start3A_534 : memref<2x50x128xf32, #tpu.memory_space<vmem>>) target(%dma_start3A_529 : memref<2x50x128xf32, #tpu.memory_space<hbm>>) target_semaphore(%arg18 : memref<!tpu.dma_semaphore, #tpu.memory_space<semaphore_mem>>)
      %mul3A_535 = arith.constant 8 : i32
      %mul3A_536 = arith.muli %mul3A_535, %scan3A_324 : i32
      %add3A_537 = arith.constant 4 : i32
      %add3A_538 = arith.addi %mul3A_536, %add3A_537 : i32
      %add3A_539 = arith.constant 8 : i32
      %add3A_540 = arith.addi %add3A_538, %add3A_539 : i32
      %sub3A_541 = arith.constant 1 : i32
      %sub3A_542 = arith.subi %add3A_540, %sub3A_541 : i32
      %lt3A_543 = arith.constant 256 : i32
      %lt3A_544 = arith.cmpi slt, %sub3A_542, %lt3A_543 : i32
      %ge3A_545 = arith.constant 1 : i32
      %ge3A_546 = arith.cmpi sge, %add3A_538, %ge3A_545 : i32
      %and3A_547 = arith.andi %lt3A_544, %ge3A_546 : i1
      %convert_element_type3A_548 = arith.extui %and3A_547 : i1 to i32
      %cond3A_549 = arith.constant 0 : i32
      %cond3A_550 = arith.cmpi ne, %convert_element_type3A_548, %cond3A_549 : i32
      scf.if %cond3A_550 {
        %dma_wait3A_751 = arith.constant 3 : i32
        %dma_wait3A_752 = arith.constant 0 : i32
        %dma_wait3A_753 = arith.constant 0 : i32
        %dma_wait3A_754 = arith.constant 0 : i32
        %dma_wait3A_755 = tpu.memref_slice %arg6[%dma_wait3A_751, %dma_wait3A_752, %dma_wait3A_753, %dma_wait3A_754] : memref<8x2x50x128xf32, #tpu.memory_space<vmem>> -> memref<1x2x50x128xf32, #tpu.memory_space<vmem>>
        %dma_wait3A_756 = tpu.memref_squeeze %dma_wait3A_755 : memref<1x2x50x128xf32, #tpu.memory_space<vmem>> -> memref<2x50x128xf32, #tpu.memory_space<vmem>>
        %dma_wait3A_757 = arith.constant 0 : i32
        %dma_wait3A_758 = arith.constant 0 : i32
        %dma_wait3A_759 = tpu.memref_slice %arg4[%mul3A_2, %dma_wait3A_757, %dma_wait3A_758] : memref<16384x56x128xf32, #tpu.memory_space<hbm>> -> memref<2x50x128xf32, #tpu.memory_space<hbm>>
        %dma_wait3A_760 = arith.constant 0 : i32
        %dma_wait3A_761 = arith.constant 0 : i32
        %dma_wait3A_762 = tpu.memref_slice %arg4[%mul3A_2, %dma_wait3A_760, %dma_wait3A_761] : memref<16384x56x128xf32, #tpu.memory_space<hbm>> -> memref<2x50x128xf32, #tpu.memory_space<hbm>>
        %dma_wait3A_763 = arith.constant 0 : i32
        %dma_wait3A_764 = arith.constant 0 : i32
        %dma_wait3A_765 = arith.constant 0 : i32
        %dma_wait3A_766 = tpu.memref_slice %arg6[%dma_wait3A_751, %dma_wait3A_763, %dma_wait3A_764, %dma_wait3A_765] : memref<8x2x50x128xf32, #tpu.memory_space<vmem>> -> memref<1x2x50x128xf32, #tpu.memory_space<vmem>>
        %dma_wait3A_767 = tpu.memref_squeeze %dma_wait3A_766 : memref<1x2x50x128xf32, #tpu.memory_space<vmem>> -> memref<2x50x128xf32, #tpu.memory_space<vmem>>
        tpu.wait_dma2 semaphore(%arg18 : memref<!tpu.dma_semaphore, #tpu.memory_space<semaphore_mem>>) src(%dma_wait3A_767 : memref<2x50x128xf32, #tpu.memory_space<vmem>>) dst(%dma_wait3A_762 : memref<2x50x128xf32, #tpu.memory_space<hbm>>)
      } else {
      }
      %lt3A_551 = arith.constant 256 : i32
      %lt3A_552 = arith.cmpi slt, %sub3A_542, %lt3A_551 : i32
      %convert_element_type3A_553 = arith.extui %lt3A_552 : i1 to i32
      %cond3A_554 = arith.constant 0 : i32
      %cond3A_555 = arith.cmpi ne, %convert_element_type3A_553, %cond3A_554 : i32
      scf.if %cond3A_555 {
        %mul3A_751 = arith.constant 2 : i32
        %mul3A_752 = arith.muli %sub3A_542, %mul3A_751 : i32
        %add3A_753 = arith.constant 0 : i32
        %add3A_754 = arith.addi %mul3A_752, %add3A_753 : i32
        %dma_start3A_755 = arith.constant 3 : i32
        %dma_start3A_756 = arith.constant 0 : i32
        %dma_start3A_757 = arith.constant 0 : i32
        %dma_start3A_758 = arith.constant 0 : i32
        %dma_start3A_759 = tpu.memref_slice %arg6[%dma_start3A_755, %dma_start3A_756, %dma_start3A_757, %dma_start3A_758] : memref<8x2x50x128xf32, #tpu.memory_space<vmem>> -> memref<1x1x50x128xf32, #tpu.memory_space<vmem>>
        %dma_start3A_760 = tpu.memref_squeeze %dma_start3A_759 : memref<1x1x50x128xf32, #tpu.memory_space<vmem>> -> memref<50x128xf32, #tpu.memory_space<vmem>>
        %dma_start3A_761 = arith.constant 0 : i32
        %dma_start3A_762 = tpu.memref_slice %arg5[%add3A_754, %dma_start3A_761] : memref<512x50xi32, #tpu.memory_space<vmem>> -> memref<1x50xi32, #tpu.memory_space<vmem>>
        %dma_start3A_763 = tpu.memref_squeeze %dma_start3A_762 : memref<1x50xi32, #tpu.memory_space<vmem>> -> memref<50xi32, #tpu.memory_space<vmem>>
        %dma_start3A_764 = arith.constant 0 : i32
        %dma_start3A_765 = arith.constant 0 : i32
        %dma_start3A_766 = tpu.memref_slice %arg2[%dma_start3A_764, %dma_start3A_765] : memref<1000000x128xf32, #tpu.memory_space<hbm>> -> memref<1000000x128xf32, #tpu.memory_space<hbm>>
        tpu.enqueue_indirect_dma source(%dma_start3A_766 : memref<1000000x128xf32, #tpu.memory_space<hbm>>) target(%dma_start3A_760 : memref<50x128xf32, #tpu.memory_space<vmem>>) offsets(%dma_start3A_763 : memref<50xi32, #tpu.memory_space<vmem>>) semaphore(%arg10 : memref<!tpu.dma_semaphore, #tpu.memory_space<semaphore_mem>>)
        %mul3A_767 = arith.constant 2 : i32
        %mul3A_768 = arith.muli %sub3A_542, %mul3A_767 : i32
        %add3A_769 = arith.constant 1 : i32
        %add3A_770 = arith.addi %mul3A_768, %add3A_769 : i32
        %dma_start3A_771 = arith.constant 3 : i32
        %dma_start3A_772 = arith.constant 1 : i32
        %dma_start3A_773 = arith.constant 0 : i32
        %dma_start3A_774 = arith.constant 0 : i32
        %dma_start3A_775 = tpu.memref_slice %arg6[%dma_start3A_771, %dma_start3A_772, %dma_start3A_773, %dma_start3A_774] : memref<8x2x50x128xf32, #tpu.memory_space<vmem>> -> memref<1x1x50x128xf32, #tpu.memory_space<vmem>>
        %dma_start3A_776 = tpu.memref_squeeze %dma_start3A_775 : memref<1x1x50x128xf32, #tpu.memory_space<vmem>> -> memref<50x128xf32, #tpu.memory_space<vmem>>
        %dma_start3A_777 = arith.constant 0 : i32
        %dma_start3A_778 = tpu.memref_slice %arg5[%add3A_770, %dma_start3A_777] : memref<512x50xi32, #tpu.memory_space<vmem>> -> memref<1x50xi32, #tpu.memory_space<vmem>>
        %dma_start3A_779 = tpu.memref_squeeze %dma_start3A_778 : memref<1x50xi32, #tpu.memory_space<vmem>> -> memref<50xi32, #tpu.memory_space<vmem>>
        %dma_start3A_780 = arith.constant 0 : i32
        %dma_start3A_781 = arith.constant 0 : i32
        %dma_start3A_782 = tpu.memref_slice %arg2[%dma_start3A_780, %dma_start3A_781] : memref<1000000x128xf32, #tpu.memory_space<hbm>> -> memref<1000000x128xf32, #tpu.memory_space<hbm>>
        tpu.enqueue_indirect_dma source(%dma_start3A_782 : memref<1000000x128xf32, #tpu.memory_space<hbm>>) target(%dma_start3A_776 : memref<50x128xf32, #tpu.memory_space<vmem>>) offsets(%dma_start3A_779 : memref<50xi32, #tpu.memory_space<vmem>>) semaphore(%arg10 : memref<!tpu.dma_semaphore, #tpu.memory_space<semaphore_mem>>)
      } else {
      }
      %dma_wait3A_556 = arith.constant 0 : i32
      %dma_wait3A_557 = arith.constant 4 : i32
      %dma_wait3A_558 = arith.constant 0 : i32
      %dma_wait3A_559 = arith.constant 0 : i32
      %dma_wait3A_560 = arith.constant 0 : i32
      %dma_wait3A_561 = tpu.memref_slice %arg6[%dma_wait3A_557, %dma_wait3A_558, %dma_wait3A_559, %dma_wait3A_560] : memref<8x2x50x128xf32, #tpu.memory_space<vmem>> -> memref<1x2x50x128xf32, #tpu.memory_space<vmem>>
      %dma_wait3A_562 = tpu.memref_squeeze %dma_wait3A_561 : memref<1x2x50x128xf32, #tpu.memory_space<vmem>> -> memref<2x50x128xf32, #tpu.memory_space<vmem>>
      %dma_wait3A_563 = arith.constant 0 : i32
      %dma_wait3A_564 = tpu.memref_slice %arg5[%dma_wait3A_556, %dma_wait3A_563] : memref<512x50xi32, #tpu.memory_space<vmem>> -> memref<1x50xi32, #tpu.memory_space<vmem>>
      %dma_wait3A_565 = tpu.memref_squeeze %dma_wait3A_564 : memref<1x50xi32, #tpu.memory_space<vmem>> -> memref<50xi32, #tpu.memory_space<vmem>>
      %dma_wait3A_566 = arith.constant 0 : i32
      %dma_wait3A_567 = arith.constant 0 : i32
      %dma_wait3A_568 = tpu.memref_slice %arg2[%dma_wait3A_566, %dma_wait3A_567] : memref<1000000x128xf32, #tpu.memory_space<hbm>> -> memref<1000000x128xf32, #tpu.memory_space<hbm>>
      tpu.wait_indirect_dma semaphore(%arg11 : memref<!tpu.dma_semaphore, #tpu.memory_space<semaphore_mem>>) src(%dma_wait3A_568 : memref<1000000x128xf32, #tpu.memory_space<hbm>>) dst(%dma_wait3A_562 : memref<2x50x128xf32, #tpu.memory_space<vmem>>)
      %mul3A_569 = arith.constant 2 : i32
      %mul3A_570 = arith.muli %add3A_538, %mul3A_569 : i32
      %add3A_571 = arith.addi %mul3A_2, %mul3A_570 : i32
      %dma_start3A_572 = arith.constant 4 : i32
      %dma_start3A_573 = arith.constant 0 : i32
      %dma_start3A_574 = arith.constant 0 : i32
      %dma_start3A_575 = arith.constant 0 : i32
      %dma_start3A_576 = tpu.memref_slice %arg6[%dma_start3A_572, %dma_start3A_573, %dma_start3A_574, %dma_start3A_575] : memref<8x2x50x128xf32, #tpu.memory_space<vmem>> -> memref<1x2x50x128xf32, #tpu.memory_space<vmem>>
      %dma_start3A_577 = tpu.memref_squeeze %dma_start3A_576 : memref<1x2x50x128xf32, #tpu.memory_space<vmem>> -> memref<2x50x128xf32, #tpu.memory_space<vmem>>
      %dma_start3A_578 = arith.constant 0 : i32
      %dma_start3A_579 = arith.constant 0 : i32
      %dma_start3A_580 = tpu.memref_slice %arg4[%add3A_571, %dma_start3A_578, %dma_start3A_579] : memref<16384x56x128xf32, #tpu.memory_space<hbm>> -> memref<2x50x128xf32, #tpu.memory_space<hbm>>
      %dma_start3A_581 = arith.constant 0 : i32
      %dma_start3A_582 = arith.constant 0 : i32
      %dma_start3A_583 = tpu.memref_slice %arg4[%add3A_571, %dma_start3A_581, %dma_start3A_582] : memref<16384x56x128xf32, #tpu.memory_space<hbm>> -> memref<2x50x128xf32, #tpu.memory_space<hbm>>
      %dma_start3A_584 = arith.constant 0 : i32
      %dma_start3A_585 = arith.constant 0 : i32
      %dma_start3A_586 = arith.constant 0 : i32
      %dma_start3A_587 = tpu.memref_slice %arg6[%dma_start3A_572, %dma_start3A_584, %dma_start3A_585, %dma_start3A_586] : memref<8x2x50x128xf32, #tpu.memory_space<vmem>> -> memref<1x2x50x128xf32, #tpu.memory_space<vmem>>
      %dma_start3A_588 = tpu.memref_squeeze %dma_start3A_587 : memref<1x2x50x128xf32, #tpu.memory_space<vmem>> -> memref<2x50x128xf32, #tpu.memory_space<vmem>>
      tpu.enqueue_dma source(%dma_start3A_588 : memref<2x50x128xf32, #tpu.memory_space<vmem>>) target(%dma_start3A_583 : memref<2x50x128xf32, #tpu.memory_space<hbm>>) target_semaphore(%arg19 : memref<!tpu.dma_semaphore, #tpu.memory_space<semaphore_mem>>)
      %mul3A_589 = arith.constant 8 : i32
      %mul3A_590 = arith.muli %mul3A_589, %scan3A_324 : i32
      %add3A_591 = arith.constant 5 : i32
      %add3A_592 = arith.addi %mul3A_590, %add3A_591 : i32
      %add3A_593 = arith.constant 8 : i32
      %add3A_594 = arith.addi %add3A_592, %add3A_593 : i32
      %sub3A_595 = arith.constant 1 : i32
      %sub3A_596 = arith.subi %add3A_594, %sub3A_595 : i32
      %lt3A_597 = arith.constant 256 : i32
      %lt3A_598 = arith.cmpi slt, %sub3A_596, %lt3A_597 : i32
      %ge3A_599 = arith.constant 1 : i32
      %ge3A_600 = arith.cmpi sge, %add3A_592, %ge3A_599 : i32
      %and3A_601 = arith.andi %lt3A_598, %ge3A_600 : i1
      %convert_element_type3A_602 = arith.extui %and3A_601 : i1 to i32
      %cond3A_603 = arith.constant 0 : i32
      %cond3A_604 = arith.cmpi ne, %convert_element_type3A_602, %cond3A_603 : i32
      scf.if %cond3A_604 {
        %dma_wait3A_751 = arith.constant 4 : i32
        %dma_wait3A_752 = arith.constant 0 : i32
        %dma_wait3A_753 = arith.constant 0 : i32
        %dma_wait3A_754 = arith.constant 0 : i32
        %dma_wait3A_755 = tpu.memref_slice %arg6[%dma_wait3A_751, %dma_wait3A_752, %dma_wait3A_753, %dma_wait3A_754] : memref<8x2x50x128xf32, #tpu.memory_space<vmem>> -> memref<1x2x50x128xf32, #tpu.memory_space<vmem>>
        %dma_wait3A_756 = tpu.memref_squeeze %dma_wait3A_755 : memref<1x2x50x128xf32, #tpu.memory_space<vmem>> -> memref<2x50x128xf32, #tpu.memory_space<vmem>>
        %dma_wait3A_757 = arith.constant 0 : i32
        %dma_wait3A_758 = arith.constant 0 : i32
        %dma_wait3A_759 = tpu.memref_slice %arg4[%mul3A_2, %dma_wait3A_757, %dma_wait3A_758] : memref<16384x56x128xf32, #tpu.memory_space<hbm>> -> memref<2x50x128xf32, #tpu.memory_space<hbm>>
        %dma_wait3A_760 = arith.constant 0 : i32
        %dma_wait3A_761 = arith.constant 0 : i32
        %dma_wait3A_762 = tpu.memref_slice %arg4[%mul3A_2, %dma_wait3A_760, %dma_wait3A_761] : memref<16384x56x128xf32, #tpu.memory_space<hbm>> -> memref<2x50x128xf32, #tpu.memory_space<hbm>>
        %dma_wait3A_763 = arith.constant 0 : i32
        %dma_wait3A_764 = arith.constant 0 : i32
        %dma_wait3A_765 = arith.constant 0 : i32
        %dma_wait3A_766 = tpu.memref_slice %arg6[%dma_wait3A_751, %dma_wait3A_763, %dma_wait3A_764, %dma_wait3A_765] : memref<8x2x50x128xf32, #tpu.memory_space<vmem>> -> memref<1x2x50x128xf32, #tpu.memory_space<vmem>>
        %dma_wait3A_767 = tpu.memref_squeeze %dma_wait3A_766 : memref<1x2x50x128xf32, #tpu.memory_space<vmem>> -> memref<2x50x128xf32, #tpu.memory_space<vmem>>
        tpu.wait_dma2 semaphore(%arg19 : memref<!tpu.dma_semaphore, #tpu.memory_space<semaphore_mem>>) src(%dma_wait3A_767 : memref<2x50x128xf32, #tpu.memory_space<vmem>>) dst(%dma_wait3A_762 : memref<2x50x128xf32, #tpu.memory_space<hbm>>)
      } else {
      }
      %lt3A_605 = arith.constant 256 : i32
      %lt3A_606 = arith.cmpi slt, %sub3A_596, %lt3A_605 : i32
      %convert_element_type3A_607 = arith.extui %lt3A_606 : i1 to i32
      %cond3A_608 = arith.constant 0 : i32
      %cond3A_609 = arith.cmpi ne, %convert_element_type3A_607, %cond3A_608 : i32
      scf.if %cond3A_609 {
        %mul3A_751 = arith.constant 2 : i32
        %mul3A_752 = arith.muli %sub3A_596, %mul3A_751 : i32
        %add3A_753 = arith.constant 0 : i32
        %add3A_754 = arith.addi %mul3A_752, %add3A_753 : i32
        %dma_start3A_755 = arith.constant 4 : i32
        %dma_start3A_756 = arith.constant 0 : i32
        %dma_start3A_757 = arith.constant 0 : i32
        %dma_start3A_758 = arith.constant 0 : i32
        %dma_start3A_759 = tpu.memref_slice %arg6[%dma_start3A_755, %dma_start3A_756, %dma_start3A_757, %dma_start3A_758] : memref<8x2x50x128xf32, #tpu.memory_space<vmem>> -> memref<1x1x50x128xf32, #tpu.memory_space<vmem>>
        %dma_start3A_760 = tpu.memref_squeeze %dma_start3A_759 : memref<1x1x50x128xf32, #tpu.memory_space<vmem>> -> memref<50x128xf32, #tpu.memory_space<vmem>>
        %dma_start3A_761 = arith.constant 0 : i32
        %dma_start3A_762 = tpu.memref_slice %arg5[%add3A_754, %dma_start3A_761] : memref<512x50xi32, #tpu.memory_space<vmem>> -> memref<1x50xi32, #tpu.memory_space<vmem>>
        %dma_start3A_763 = tpu.memref_squeeze %dma_start3A_762 : memref<1x50xi32, #tpu.memory_space<vmem>> -> memref<50xi32, #tpu.memory_space<vmem>>
        %dma_start3A_764 = arith.constant 0 : i32
        %dma_start3A_765 = arith.constant 0 : i32
        %dma_start3A_766 = tpu.memref_slice %arg2[%dma_start3A_764, %dma_start3A_765] : memref<1000000x128xf32, #tpu.memory_space<hbm>> -> memref<1000000x128xf32, #tpu.memory_space<hbm>>
        tpu.enqueue_indirect_dma source(%dma_start3A_766 : memref<1000000x128xf32, #tpu.memory_space<hbm>>) target(%dma_start3A_760 : memref<50x128xf32, #tpu.memory_space<vmem>>) offsets(%dma_start3A_763 : memref<50xi32, #tpu.memory_space<vmem>>) semaphore(%arg11 : memref<!tpu.dma_semaphore, #tpu.memory_space<semaphore_mem>>)
        %mul3A_767 = arith.constant 2 : i32
        %mul3A_768 = arith.muli %sub3A_596, %mul3A_767 : i32
        %add3A_769 = arith.constant 1 : i32
        %add3A_770 = arith.addi %mul3A_768, %add3A_769 : i32
        %dma_start3A_771 = arith.constant 4 : i32
        %dma_start3A_772 = arith.constant 1 : i32
        %dma_start3A_773 = arith.constant 0 : i32
        %dma_start3A_774 = arith.constant 0 : i32
        %dma_start3A_775 = tpu.memref_slice %arg6[%dma_start3A_771, %dma_start3A_772, %dma_start3A_773, %dma_start3A_774] : memref<8x2x50x128xf32, #tpu.memory_space<vmem>> -> memref<1x1x50x128xf32, #tpu.memory_space<vmem>>
        %dma_start3A_776 = tpu.memref_squeeze %dma_start3A_775 : memref<1x1x50x128xf32, #tpu.memory_space<vmem>> -> memref<50x128xf32, #tpu.memory_space<vmem>>
        %dma_start3A_777 = arith.constant 0 : i32
        %dma_start3A_778 = tpu.memref_slice %arg5[%add3A_770, %dma_start3A_777] : memref<512x50xi32, #tpu.memory_space<vmem>> -> memref<1x50xi32, #tpu.memory_space<vmem>>
        %dma_start3A_779 = tpu.memref_squeeze %dma_start3A_778 : memref<1x50xi32, #tpu.memory_space<vmem>> -> memref<50xi32, #tpu.memory_space<vmem>>
        %dma_start3A_780 = arith.constant 0 : i32
        %dma_start3A_781 = arith.constant 0 : i32
        %dma_start3A_782 = tpu.memref_slice %arg2[%dma_start3A_780, %dma_start3A_781] : memref<1000000x128xf32, #tpu.memory_space<hbm>> -> memref<1000000x128xf32, #tpu.memory_space<hbm>>
        tpu.enqueue_indirect_dma source(%dma_start3A_782 : memref<1000000x128xf32, #tpu.memory_space<hbm>>) target(%dma_start3A_776 : memref<50x128xf32, #tpu.memory_space<vmem>>) offsets(%dma_start3A_779 : memref<50xi32, #tpu.memory_space<vmem>>) semaphore(%arg11 : memref<!tpu.dma_semaphore, #tpu.memory_space<semaphore_mem>>)
      } else {
      }
      %dma_wait3A_610 = arith.constant 0 : i32
      %dma_wait3A_611 = arith.constant 5 : i32
      %dma_wait3A_612 = arith.constant 0 : i32
      %dma_wait3A_613 = arith.constant 0 : i32
      %dma_wait3A_614 = arith.constant 0 : i32
      %dma_wait3A_615 = tpu.memref_slice %arg6[%dma_wait3A_611, %dma_wait3A_612, %dma_wait3A_613, %dma_wait3A_614] : memref<8x2x50x128xf32, #tpu.memory_space<vmem>> -> memref<1x2x50x128xf32, #tpu.memory_space<vmem>>
      %dma_wait3A_616 = tpu.memref_squeeze %dma_wait3A_615 : memref<1x2x50x128xf32, #tpu.memory_space<vmem>> -> memref<2x50x128xf32, #tpu.memory_space<vmem>>
      %dma_wait3A_617 = arith.constant 0 : i32
      %dma_wait3A_618 = tpu.memref_slice %arg5[%dma_wait3A_610, %dma_wait3A_617] : memref<512x50xi32, #tpu.memory_space<vmem>> -> memref<1x50xi32, #tpu.memory_space<vmem>>
      %dma_wait3A_619 = tpu.memref_squeeze %dma_wait3A_618 : memref<1x50xi32, #tpu.memory_space<vmem>> -> memref<50xi32, #tpu.memory_space<vmem>>
      %dma_wait3A_620 = arith.constant 0 : i32
      %dma_wait3A_621 = arith.constant 0 : i32
      %dma_wait3A_622 = tpu.memref_slice %arg2[%dma_wait3A_620, %dma_wait3A_621] : memref<1000000x128xf32, #tpu.memory_space<hbm>> -> memref<1000000x128xf32, #tpu.memory_space<hbm>>
      tpu.wait_indirect_dma semaphore(%arg12 : memref<!tpu.dma_semaphore, #tpu.memory_space<semaphore_mem>>) src(%dma_wait3A_622 : memref<1000000x128xf32, #tpu.memory_space<hbm>>) dst(%dma_wait3A_616 : memref<2x50x128xf32, #tpu.memory_space<vmem>>)
      %mul3A_623 = arith.constant 2 : i32
      %mul3A_624 = arith.muli %add3A_592, %mul3A_623 : i32
      %add3A_625 = arith.addi %mul3A_2, %mul3A_624 : i32
      %dma_start3A_626 = arith.constant 5 : i32
      %dma_start3A_627 = arith.constant 0 : i32
      %dma_start3A_628 = arith.constant 0 : i32
      %dma_start3A_629 = arith.constant 0 : i32
      %dma_start3A_630 = tpu.memref_slice %arg6[%dma_start3A_626, %dma_start3A_627, %dma_start3A_628, %dma_start3A_629] : memref<8x2x50x128xf32, #tpu.memory_space<vmem>> -> memref<1x2x50x128xf32, #tpu.memory_space<vmem>>
      %dma_start3A_631 = tpu.memref_squeeze %dma_start3A_630 : memref<1x2x50x128xf32, #tpu.memory_space<vmem>> -> memref<2x50x128xf32, #tpu.memory_space<vmem>>
      %dma_start3A_632 = arith.constant 0 : i32
      %dma_start3A_633 = arith.constant 0 : i32
      %dma_start3A_634 = tpu.memref_slice %arg4[%add3A_625, %dma_start3A_632, %dma_start3A_633] : memref<16384x56x128xf32, #tpu.memory_space<hbm>> -> memref<2x50x128xf32, #tpu.memory_space<hbm>>
      %dma_start3A_635 = arith.constant 0 : i32
      %dma_start3A_636 = arith.constant 0 : i32
      %dma_start3A_637 = tpu.memref_slice %arg4[%add3A_625, %dma_start3A_635, %dma_start3A_636] : memref<16384x56x128xf32, #tpu.memory_space<hbm>> -> memref<2x50x128xf32, #tpu.memory_space<hbm>>
      %dma_start3A_638 = arith.constant 0 : i32
      %dma_start3A_639 = arith.constant 0 : i32
      %dma_start3A_640 = arith.constant 0 : i32
      %dma_start3A_641 = tpu.memref_slice %arg6[%dma_start3A_626, %dma_start3A_638, %dma_start3A_639, %dma_start3A_640] : memref<8x2x50x128xf32, #tpu.memory_space<vmem>> -> memref<1x2x50x128xf32, #tpu.memory_space<vmem>>
      %dma_start3A_642 = tpu.memref_squeeze %dma_start3A_641 : memref<1x2x50x128xf32, #tpu.memory_space<vmem>> -> memref<2x50x128xf32, #tpu.memory_space<vmem>>
      tpu.enqueue_dma source(%dma_start3A_642 : memref<2x50x128xf32, #tpu.memory_space<vmem>>) target(%dma_start3A_637 : memref<2x50x128xf32, #tpu.memory_space<hbm>>) target_semaphore(%arg20 : memref<!tpu.dma_semaphore, #tpu.memory_space<semaphore_mem>>)
      %mul3A_643 = arith.constant 8 : i32
      %mul3A_644 = arith.muli %mul3A_643, %scan3A_324 : i32
      %add3A_645 = arith.constant 6 : i32
      %add3A_646 = arith.addi %mul3A_644, %add3A_645 : i32
      %add3A_647 = arith.constant 8 : i32
      %add3A_648 = arith.addi %add3A_646, %add3A_647 : i32
      %sub3A_649 = arith.constant 1 : i32
      %sub3A_650 = arith.subi %add3A_648, %sub3A_649 : i32
      %lt3A_651 = arith.constant 256 : i32
      %lt3A_652 = arith.cmpi slt, %sub3A_650, %lt3A_651 : i32
      %ge3A_653 = arith.constant 1 : i32
      %ge3A_654 = arith.cmpi sge, %add3A_646, %ge3A_653 : i32
      %and3A_655 = arith.andi %lt3A_652, %ge3A_654 : i1
      %convert_element_type3A_656 = arith.extui %and3A_655 : i1 to i32
      %cond3A_657 = arith.constant 0 : i32
      %cond3A_658 = arith.cmpi ne, %convert_element_type3A_656, %cond3A_657 : i32
      scf.if %cond3A_658 {
        %dma_wait3A_751 = arith.constant 5 : i32
        %dma_wait3A_752 = arith.constant 0 : i32
        %dma_wait3A_753 = arith.constant 0 : i32
        %dma_wait3A_754 = arith.constant 0 : i32
        %dma_wait3A_755 = tpu.memref_slice %arg6[%dma_wait3A_751, %dma_wait3A_752, %dma_wait3A_753, %dma_wait3A_754] : memref<8x2x50x128xf32, #tpu.memory_space<vmem>> -> memref<1x2x50x128xf32, #tpu.memory_space<vmem>>
        %dma_wait3A_756 = tpu.memref_squeeze %dma_wait3A_755 : memref<1x2x50x128xf32, #tpu.memory_space<vmem>> -> memref<2x50x128xf32, #tpu.memory_space<vmem>>
        %dma_wait3A_757 = arith.constant 0 : i32
        %dma_wait3A_758 = arith.constant 0 : i32
        %dma_wait3A_759 = tpu.memref_slice %arg4[%mul3A_2, %dma_wait3A_757, %dma_wait3A_758] : memref<16384x56x128xf32, #tpu.memory_space<hbm>> -> memref<2x50x128xf32, #tpu.memory_space<hbm>>
        %dma_wait3A_760 = arith.constant 0 : i32
        %dma_wait3A_761 = arith.constant 0 : i32
        %dma_wait3A_762 = tpu.memref_slice %arg4[%mul3A_2, %dma_wait3A_760, %dma_wait3A_761] : memref<16384x56x128xf32, #tpu.memory_space<hbm>> -> memref<2x50x128xf32, #tpu.memory_space<hbm>>
        %dma_wait3A_763 = arith.constant 0 : i32
        %dma_wait3A_764 = arith.constant 0 : i32
        %dma_wait3A_765 = arith.constant 0 : i32
        %dma_wait3A_766 = tpu.memref_slice %arg6[%dma_wait3A_751, %dma_wait3A_763, %dma_wait3A_764, %dma_wait3A_765] : memref<8x2x50x128xf32, #tpu.memory_space<vmem>> -> memref<1x2x50x128xf32, #tpu.memory_space<vmem>>
        %dma_wait3A_767 = tpu.memref_squeeze %dma_wait3A_766 : memref<1x2x50x128xf32, #tpu.memory_space<vmem>> -> memref<2x50x128xf32, #tpu.memory_space<vmem>>
        tpu.wait_dma2 semaphore(%arg20 : memref<!tpu.dma_semaphore, #tpu.memory_space<semaphore_mem>>) src(%dma_wait3A_767 : memref<2x50x128xf32, #tpu.memory_space<vmem>>) dst(%dma_wait3A_762 : memref<2x50x128xf32, #tpu.memory_space<hbm>>)
      } else {
      }
      %lt3A_659 = arith.constant 256 : i32
      %lt3A_660 = arith.cmpi slt, %sub3A_650, %lt3A_659 : i32
      %convert_element_type3A_661 = arith.extui %lt3A_660 : i1 to i32
      %cond3A_662 = arith.constant 0 : i32
      %cond3A_663 = arith.cmpi ne, %convert_element_type3A_661, %cond3A_662 : i32
      scf.if %cond3A_663 {
        %mul3A_751 = arith.constant 2 : i32
        %mul3A_752 = arith.muli %sub3A_650, %mul3A_751 : i32
        %add3A_753 = arith.constant 0 : i32
        %add3A_754 = arith.addi %mul3A_752, %add3A_753 : i32
        %dma_start3A_755 = arith.constant 5 : i32
        %dma_start3A_756 = arith.constant 0 : i32
        %dma_start3A_757 = arith.constant 0 : i32
        %dma_start3A_758 = arith.constant 0 : i32
        %dma_start3A_759 = tpu.memref_slice %arg6[%dma_start3A_755, %dma_start3A_756, %dma_start3A_757, %dma_start3A_758] : memref<8x2x50x128xf32, #tpu.memory_space<vmem>> -> memref<1x1x50x128xf32, #tpu.memory_space<vmem>>
        %dma_start3A_760 = tpu.memref_squeeze %dma_start3A_759 : memref<1x1x50x128xf32, #tpu.memory_space<vmem>> -> memref<50x128xf32, #tpu.memory_space<vmem>>
        %dma_start3A_761 = arith.constant 0 : i32
        %dma_start3A_762 = tpu.memref_slice %arg5[%add3A_754, %dma_start3A_761] : memref<512x50xi32, #tpu.memory_space<vmem>> -> memref<1x50xi32, #tpu.memory_space<vmem>>
        %dma_start3A_763 = tpu.memref_squeeze %dma_start3A_762 : memref<1x50xi32, #tpu.memory_space<vmem>> -> memref<50xi32, #tpu.memory_space<vmem>>
        %dma_start3A_764 = arith.constant 0 : i32
        %dma_start3A_765 = arith.constant 0 : i32
        %dma_start3A_766 = tpu.memref_slice %arg2[%dma_start3A_764, %dma_start3A_765] : memref<1000000x128xf32, #tpu.memory_space<hbm>> -> memref<1000000x128xf32, #tpu.memory_space<hbm>>
        tpu.enqueue_indirect_dma source(%dma_start3A_766 : memref<1000000x128xf32, #tpu.memory_space<hbm>>) target(%dma_start3A_760 : memref<50x128xf32, #tpu.memory_space<vmem>>) offsets(%dma_start3A_763 : memref<50xi32, #tpu.memory_space<vmem>>) semaphore(%arg12 : memref<!tpu.dma_semaphore, #tpu.memory_space<semaphore_mem>>)
        %mul3A_767 = arith.constant 2 : i32
        %mul3A_768 = arith.muli %sub3A_650, %mul3A_767 : i32
        %add3A_769 = arith.constant 1 : i32
        %add3A_770 = arith.addi %mul3A_768, %add3A_769 : i32
        %dma_start3A_771 = arith.constant 5 : i32
        %dma_start3A_772 = arith.constant 1 : i32
        %dma_start3A_773 = arith.constant 0 : i32
        %dma_start3A_774 = arith.constant 0 : i32
        %dma_start3A_775 = tpu.memref_slice %arg6[%dma_start3A_771, %dma_start3A_772, %dma_start3A_773, %dma_start3A_774] : memref<8x2x50x128xf32, #tpu.memory_space<vmem>> -> memref<1x1x50x128xf32, #tpu.memory_space<vmem>>
        %dma_start3A_776 = tpu.memref_squeeze %dma_start3A_775 : memref<1x1x50x128xf32, #tpu.memory_space<vmem>> -> memref<50x128xf32, #tpu.memory_space<vmem>>
        %dma_start3A_777 = arith.constant 0 : i32
        %dma_start3A_778 = tpu.memref_slice %arg5[%add3A_770, %dma_start3A_777] : memref<512x50xi32, #tpu.memory_space<vmem>> -> memref<1x50xi32, #tpu.memory_space<vmem>>
        %dma_start3A_779 = tpu.memref_squeeze %dma_start3A_778 : memref<1x50xi32, #tpu.memory_space<vmem>> -> memref<50xi32, #tpu.memory_space<vmem>>
        %dma_start3A_780 = arith.constant 0 : i32
        %dma_start3A_781 = arith.constant 0 : i32
        %dma_start3A_782 = tpu.memref_slice %arg2[%dma_start3A_780, %dma_start3A_781] : memref<1000000x128xf32, #tpu.memory_space<hbm>> -> memref<1000000x128xf32, #tpu.memory_space<hbm>>
        tpu.enqueue_indirect_dma source(%dma_start3A_782 : memref<1000000x128xf32, #tpu.memory_space<hbm>>) target(%dma_start3A_776 : memref<50x128xf32, #tpu.memory_space<vmem>>) offsets(%dma_start3A_779 : memref<50xi32, #tpu.memory_space<vmem>>) semaphore(%arg12 : memref<!tpu.dma_semaphore, #tpu.memory_space<semaphore_mem>>)
      } else {
      }
      %dma_wait3A_664 = arith.constant 0 : i32
      %dma_wait3A_665 = arith.constant 6 : i32
      %dma_wait3A_666 = arith.constant 0 : i32
      %dma_wait3A_667 = arith.constant 0 : i32
      %dma_wait3A_668 = arith.constant 0 : i32
      %dma_wait3A_669 = tpu.memref_slice %arg6[%dma_wait3A_665, %dma_wait3A_666, %dma_wait3A_667, %dma_wait3A_668] : memref<8x2x50x128xf32, #tpu.memory_space<vmem>> -> memref<1x2x50x128xf32, #tpu.memory_space<vmem>>
      %dma_wait3A_670 = tpu.memref_squeeze %dma_wait3A_669 : memref<1x2x50x128xf32, #tpu.memory_space<vmem>> -> memref<2x50x128xf32, #tpu.memory_space<vmem>>
      %dma_wait3A_671 = arith.constant 0 : i32
      %dma_wait3A_672 = tpu.memref_slice %arg5[%dma_wait3A_664, %dma_wait3A_671] : memref<512x50xi32, #tpu.memory_space<vmem>> -> memref<1x50xi32, #tpu.memory_space<vmem>>
      %dma_wait3A_673 = tpu.memref_squeeze %dma_wait3A_672 : memref<1x50xi32, #tpu.memory_space<vmem>> -> memref<50xi32, #tpu.memory_space<vmem>>
      %dma_wait3A_674 = arith.constant 0 : i32
      %dma_wait3A_675 = arith.constant 0 : i32
      %dma_wait3A_676 = tpu.memref_slice %arg2[%dma_wait3A_674, %dma_wait3A_675] : memref<1000000x128xf32, #tpu.memory_space<hbm>> -> memref<1000000x128xf32, #tpu.memory_space<hbm>>
      tpu.wait_indirect_dma semaphore(%arg13 : memref<!tpu.dma_semaphore, #tpu.memory_space<semaphore_mem>>) src(%dma_wait3A_676 : memref<1000000x128xf32, #tpu.memory_space<hbm>>) dst(%dma_wait3A_670 : memref<2x50x128xf32, #tpu.memory_space<vmem>>)
      %mul3A_677 = arith.constant 2 : i32
      %mul3A_678 = arith.muli %add3A_646, %mul3A_677 : i32
      %add3A_679 = arith.addi %mul3A_2, %mul3A_678 : i32
      %dma_start3A_680 = arith.constant 6 : i32
      %dma_start3A_681 = arith.constant 0 : i32
      %dma_start3A_682 = arith.constant 0 : i32
      %dma_start3A_683 = arith.constant 0 : i32
      %dma_start3A_684 = tpu.memref_slice %arg6[%dma_start3A_680, %dma_start3A_681, %dma_start3A_682, %dma_start3A_683] : memref<8x2x50x128xf32, #tpu.memory_space<vmem>> -> memref<1x2x50x128xf32, #tpu.memory_space<vmem>>
      %dma_start3A_685 = tpu.memref_squeeze %dma_start3A_684 : memref<1x2x50x128xf32, #tpu.memory_space<vmem>> -> memref<2x50x128xf32, #tpu.memory_space<vmem>>
      %dma_start3A_686 = arith.constant 0 : i32
      %dma_start3A_687 = arith.constant 0 : i32
      %dma_start3A_688 = tpu.memref_slice %arg4[%add3A_679, %dma_start3A_686, %dma_start3A_687] : memref<16384x56x128xf32, #tpu.memory_space<hbm>> -> memref<2x50x128xf32, #tpu.memory_space<hbm>>
      %dma_start3A_689 = arith.constant 0 : i32
      %dma_start3A_690 = arith.constant 0 : i32
      %dma_start3A_691 = tpu.memref_slice %arg4[%add3A_679, %dma_start3A_689, %dma_start3A_690] : memref<16384x56x128xf32, #tpu.memory_space<hbm>> -> memref<2x50x128xf32, #tpu.memory_space<hbm>>
      %dma_start3A_692 = arith.constant 0 : i32
      %dma_start3A_693 = arith.constant 0 : i32
      %dma_start3A_694 = arith.constant 0 : i32
      %dma_start3A_695 = tpu.memref_slice %arg6[%dma_start3A_680, %dma_start3A_692, %dma_start3A_693, %dma_start3A_694] : memref<8x2x50x128xf32, #tpu.memory_space<vmem>> -> memref<1x2x50x128xf32, #tpu.memory_space<vmem>>
      %dma_start3A_696 = tpu.memref_squeeze %dma_start3A_695 : memref<1x2x50x128xf32, #tpu.memory_space<vmem>> -> memref<2x50x128xf32, #tpu.memory_space<vmem>>
      tpu.enqueue_dma source(%dma_start3A_696 : memref<2x50x128xf32, #tpu.memory_space<vmem>>) target(%dma_start3A_691 : memref<2x50x128xf32, #tpu.memory_space<hbm>>) target_semaphore(%arg21 : memref<!tpu.dma_semaphore, #tpu.memory_space<semaphore_mem>>)
      %mul3A_697 = arith.constant 8 : i32
      %mul3A_698 = arith.muli %mul3A_697, %scan3A_324 : i32
      %add3A_699 = arith.constant 7 : i32
      %add3A_700 = arith.addi %mul3A_698, %add3A_699 : i32
      %add3A_701 = arith.constant 8 : i32
      %add3A_702 = arith.addi %add3A_700, %add3A_701 : i32
      %sub3A_703 = arith.constant 1 : i32
      %sub3A_704 = arith.subi %add3A_702, %sub3A_703 : i32
      %lt3A_705 = arith.constant 256 : i32
      %lt3A_706 = arith.cmpi slt, %sub3A_704, %lt3A_705 : i32
      %ge3A_707 = arith.constant 1 : i32
      %ge3A_708 = arith.cmpi sge, %add3A_700, %ge3A_707 : i32
      %and3A_709 = arith.andi %lt3A_706, %ge3A_708 : i1
      %convert_element_type3A_710 = arith.extui %and3A_709 : i1 to i32
      %cond3A_711 = arith.constant 0 : i32
      %cond3A_712 = arith.cmpi ne, %convert_element_type3A_710, %cond3A_711 : i32
      scf.if %cond3A_712 {
        %dma_wait3A_751 = arith.constant 6 : i32
        %dma_wait3A_752 = arith.constant 0 : i32
        %dma_wait3A_753 = arith.constant 0 : i32
        %dma_wait3A_754 = arith.constant 0 : i32
        %dma_wait3A_755 = tpu.memref_slice %arg6[%dma_wait3A_751, %dma_wait3A_752, %dma_wait3A_753, %dma_wait3A_754] : memref<8x2x50x128xf32, #tpu.memory_space<vmem>> -> memref<1x2x50x128xf32, #tpu.memory_space<vmem>>
        %dma_wait3A_756 = tpu.memref_squeeze %dma_wait3A_755 : memref<1x2x50x128xf32, #tpu.memory_space<vmem>> -> memref<2x50x128xf32, #tpu.memory_space<vmem>>
        %dma_wait3A_757 = arith.constant 0 : i32
        %dma_wait3A_758 = arith.constant 0 : i32
        %dma_wait3A_759 = tpu.memref_slice %arg4[%mul3A_2, %dma_wait3A_757, %dma_wait3A_758] : memref<16384x56x128xf32, #tpu.memory_space<hbm>> -> memref<2x50x128xf32, #tpu.memory_space<hbm>>
        %dma_wait3A_760 = arith.constant 0 : i32
        %dma_wait3A_761 = arith.constant 0 : i32
        %dma_wait3A_762 = tpu.memref_slice %arg4[%mul3A_2, %dma_wait3A_760, %dma_wait3A_761] : memref<16384x56x128xf32, #tpu.memory_space<hbm>> -> memref<2x50x128xf32, #tpu.memory_space<hbm>>
        %dma_wait3A_763 = arith.constant 0 : i32
        %dma_wait3A_764 = arith.constant 0 : i32
        %dma_wait3A_765 = arith.constant 0 : i32
        %dma_wait3A_766 = tpu.memref_slice %arg6[%dma_wait3A_751, %dma_wait3A_763, %dma_wait3A_764, %dma_wait3A_765] : memref<8x2x50x128xf32, #tpu.memory_space<vmem>> -> memref<1x2x50x128xf32, #tpu.memory_space<vmem>>
        %dma_wait3A_767 = tpu.memref_squeeze %dma_wait3A_766 : memref<1x2x50x128xf32, #tpu.memory_space<vmem>> -> memref<2x50x128xf32, #tpu.memory_space<vmem>>
        tpu.wait_dma2 semaphore(%arg21 : memref<!tpu.dma_semaphore, #tpu.memory_space<semaphore_mem>>) src(%dma_wait3A_767 : memref<2x50x128xf32, #tpu.memory_space<vmem>>) dst(%dma_wait3A_762 : memref<2x50x128xf32, #tpu.memory_space<hbm>>)
      } else {
      }
      %lt3A_713 = arith.constant 256 : i32
      %lt3A_714 = arith.cmpi slt, %sub3A_704, %lt3A_713 : i32
      %convert_element_type3A_715 = arith.extui %lt3A_714 : i1 to i32
      %cond3A_716 = arith.constant 0 : i32
      %cond3A_717 = arith.cmpi ne, %convert_element_type3A_715, %cond3A_716 : i32
      scf.if %cond3A_717 {
        %mul3A_751 = arith.constant 2 : i32
        %mul3A_752 = arith.muli %sub3A_704, %mul3A_751 : i32
        %add3A_753 = arith.constant 0 : i32
        %add3A_754 = arith.addi %mul3A_752, %add3A_753 : i32
        %dma_start3A_755 = arith.constant 6 : i32
        %dma_start3A_756 = arith.constant 0 : i32
        %dma_start3A_757 = arith.constant 0 : i32
        %dma_start3A_758 = arith.constant 0 : i32
        %dma_start3A_759 = tpu.memref_slice %arg6[%dma_start3A_755, %dma_start3A_756, %dma_start3A_757, %dma_start3A_758] : memref<8x2x50x128xf32, #tpu.memory_space<vmem>> -> memref<1x1x50x128xf32, #tpu.memory_space<vmem>>
        %dma_start3A_760 = tpu.memref_squeeze %dma_start3A_759 : memref<1x1x50x128xf32, #tpu.memory_space<vmem>> -> memref<50x128xf32, #tpu.memory_space<vmem>>
        %dma_start3A_761 = arith.constant 0 : i32
        %dma_start3A_762 = tpu.memref_slice %arg5[%add3A_754, %dma_start3A_761] : memref<512x50xi32, #tpu.memory_space<vmem>> -> memref<1x50xi32, #tpu.memory_space<vmem>>
        %dma_start3A_763 = tpu.memref_squeeze %dma_start3A_762 : memref<1x50xi32, #tpu.memory_space<vmem>> -> memref<50xi32, #tpu.memory_space<vmem>>
        %dma_start3A_764 = arith.constant 0 : i32
        %dma_start3A_765 = arith.constant 0 : i32
        %dma_start3A_766 = tpu.memref_slice %arg2[%dma_start3A_764, %dma_start3A_765] : memref<1000000x128xf32, #tpu.memory_space<hbm>> -> memref<1000000x128xf32, #tpu.memory_space<hbm>>
        tpu.enqueue_indirect_dma source(%dma_start3A_766 : memref<1000000x128xf32, #tpu.memory_space<hbm>>) target(%dma_start3A_760 : memref<50x128xf32, #tpu.memory_space<vmem>>) offsets(%dma_start3A_763 : memref<50xi32, #tpu.memory_space<vmem>>) semaphore(%arg13 : memref<!tpu.dma_semaphore, #tpu.memory_space<semaphore_mem>>)
        %mul3A_767 = arith.constant 2 : i32
        %mul3A_768 = arith.muli %sub3A_704, %mul3A_767 : i32
        %add3A_769 = arith.constant 1 : i32
        %add3A_770 = arith.addi %mul3A_768, %add3A_769 : i32
        %dma_start3A_771 = arith.constant 6 : i32
        %dma_start3A_772 = arith.constant 1 : i32
        %dma_start3A_773 = arith.constant 0 : i32
        %dma_start3A_774 = arith.constant 0 : i32
        %dma_start3A_775 = tpu.memref_slice %arg6[%dma_start3A_771, %dma_start3A_772, %dma_start3A_773, %dma_start3A_774] : memref<8x2x50x128xf32, #tpu.memory_space<vmem>> -> memref<1x1x50x128xf32, #tpu.memory_space<vmem>>
        %dma_start3A_776 = tpu.memref_squeeze %dma_start3A_775 : memref<1x1x50x128xf32, #tpu.memory_space<vmem>> -> memref<50x128xf32, #tpu.memory_space<vmem>>
        %dma_start3A_777 = arith.constant 0 : i32
        %dma_start3A_778 = tpu.memref_slice %arg5[%add3A_770, %dma_start3A_777] : memref<512x50xi32, #tpu.memory_space<vmem>> -> memref<1x50xi32, #tpu.memory_space<vmem>>
        %dma_start3A_779 = tpu.memref_squeeze %dma_start3A_778 : memref<1x50xi32, #tpu.memory_space<vmem>> -> memref<50xi32, #tpu.memory_space<vmem>>
        %dma_start3A_780 = arith.constant 0 : i32
        %dma_start3A_781 = arith.constant 0 : i32
        %dma_start3A_782 = tpu.memref_slice %arg2[%dma_start3A_780, %dma_start3A_781] : memref<1000000x128xf32, #tpu.memory_space<hbm>> -> memref<1000000x128xf32, #tpu.memory_space<hbm>>
        tpu.enqueue_indirect_dma source(%dma_start3A_782 : memref<1000000x128xf32, #tpu.memory_space<hbm>>) target(%dma_start3A_776 : memref<50x128xf32, #tpu.memory_space<vmem>>) offsets(%dma_start3A_779 : memref<50xi32, #tpu.memory_space<vmem>>) semaphore(%arg13 : memref<!tpu.dma_semaphore, #tpu.memory_space<semaphore_mem>>)
      } else {
      }
      %dma_wait3A_718 = arith.constant 0 : i32
      %dma_wait3A_719 = arith.constant 7 : i32
      %dma_wait3A_720 = arith.constant 0 : i32
      %dma_wait3A_721 = arith.constant 0 : i32
      %dma_wait3A_722 = arith.constant 0 : i32
      %dma_wait3A_723 = tpu.memref_slice %arg6[%dma_wait3A_719, %dma_wait3A_720, %dma_wait3A_721, %dma_wait3A_722] : memref<8x2x50x128xf32, #tpu.memory_space<vmem>> -> memref<1x2x50x128xf32, #tpu.memory_space<vmem>>
      %dma_wait3A_724 = tpu.memref_squeeze %dma_wait3A_723 : memref<1x2x50x128xf32, #tpu.memory_space<vmem>> -> memref<2x50x128xf32, #tpu.memory_space<vmem>>
      %dma_wait3A_725 = arith.constant 0 : i32
      %dma_wait3A_726 = tpu.memref_slice %arg5[%dma_wait3A_718, %dma_wait3A_725] : memref<512x50xi32, #tpu.memory_space<vmem>> -> memref<1x50xi32, #tpu.memory_space<vmem>>
      %dma_wait3A_727 = tpu.memref_squeeze %dma_wait3A_726 : memref<1x50xi32, #tpu.memory_space<vmem>> -> memref<50xi32, #tpu.memory_space<vmem>>
      %dma_wait3A_728 = arith.constant 0 : i32
      %dma_wait3A_729 = arith.constant 0 : i32
      %dma_wait3A_730 = tpu.memref_slice %arg2[%dma_wait3A_728, %dma_wait3A_729] : memref<1000000x128xf32, #tpu.memory_space<hbm>> -> memref<1000000x128xf32, #tpu.memory_space<hbm>>
      tpu.wait_indirect_dma semaphore(%arg14 : memref<!tpu.dma_semaphore, #tpu.memory_space<semaphore_mem>>) src(%dma_wait3A_730 : memref<1000000x128xf32, #tpu.memory_space<hbm>>) dst(%dma_wait3A_724 : memref<2x50x128xf32, #tpu.memory_space<vmem>>)
      %mul3A_731 = arith.constant 2 : i32
      %mul3A_732 = arith.muli %add3A_700, %mul3A_731 : i32
      %add3A_733 = arith.addi %mul3A_2, %mul3A_732 : i32
      %dma_start3A_734 = arith.constant 7 : i32
      %dma_start3A_735 = arith.constant 0 : i32
      %dma_start3A_736 = arith.constant 0 : i32
      %dma_start3A_737 = arith.constant 0 : i32
      %dma_start3A_738 = tpu.memref_slice %arg6[%dma_start3A_734, %dma_start3A_735, %dma_start3A_736, %dma_start3A_737] : memref<8x2x50x128xf32, #tpu.memory_space<vmem>> -> memref<1x2x50x128xf32, #tpu.memory_space<vmem>>
      %dma_start3A_739 = tpu.memref_squeeze %dma_start3A_738 : memref<1x2x50x128xf32, #tpu.memory_space<vmem>> -> memref<2x50x128xf32, #tpu.memory_space<vmem>>
      %dma_start3A_740 = arith.constant 0 : i32
      %dma_start3A_741 = arith.constant 0 : i32
      %dma_start3A_742 = tpu.memref_slice %arg4[%add3A_733, %dma_start3A_740, %dma_start3A_741] : memref<16384x56x128xf32, #tpu.memory_space<hbm>> -> memref<2x50x128xf32, #tpu.memory_space<hbm>>
      %dma_start3A_743 = arith.constant 0 : i32
      %dma_start3A_744 = arith.constant 0 : i32
      %dma_start3A_745 = tpu.memref_slice %arg4[%add3A_733, %dma_start3A_743, %dma_start3A_744] : memref<16384x56x128xf32, #tpu.memory_space<hbm>> -> memref<2x50x128xf32, #tpu.memory_space<hbm>>
      %dma_start3A_746 = arith.constant 0 : i32
      %dma_start3A_747 = arith.constant 0 : i32
      %dma_start3A_748 = arith.constant 0 : i32
      %dma_start3A_749 = tpu.memref_slice %arg6[%dma_start3A_734, %dma_start3A_746, %dma_start3A_747, %dma_start3A_748] : memref<8x2x50x128xf32, #tpu.memory_space<vmem>> -> memref<1x2x50x128xf32, #tpu.memory_space<vmem>>
      %dma_start3A_750 = tpu.memref_squeeze %dma_start3A_749 : memref<1x2x50x128xf32, #tpu.memory_space<vmem>> -> memref<2x50x128xf32, #tpu.memory_space<vmem>>
      tpu.enqueue_dma source(%dma_start3A_750 : memref<2x50x128xf32, #tpu.memory_space<vmem>>) target(%dma_start3A_745 : memref<2x50x128xf32, #tpu.memory_space<hbm>>) target_semaphore(%arg22 : memref<!tpu.dma_semaphore, #tpu.memory_space<semaphore_mem>>)
    }
    %scan3A_188 = arith.constant 32 : i32
    %dma_wait3A = arith.constant 0 : i32
    %dma_wait3A_189 = arith.constant 0 : i32
    %dma_wait3A_190 = arith.constant 0 : i32
    %dma_wait3A_191 = arith.constant 0 : i32
    %dma_wait3A_192 = tpu.memref_slice %arg6[%dma_wait3A, %dma_wait3A_189, %dma_wait3A_190, %dma_wait3A_191] : memref<8x2x50x128xf32, #tpu.memory_space<vmem>> -> memref<1x2x50x128xf32, #tpu.memory_space<vmem>>
    %dma_wait3A_193 = tpu.memref_squeeze %dma_wait3A_192 : memref<1x2x50x128xf32, #tpu.memory_space<vmem>> -> memref<2x50x128xf32, #tpu.memory_space<vmem>>
    %dma_wait3A_194 = arith.constant 0 : i32
    %dma_wait3A_195 = arith.constant 0 : i32
    %dma_wait3A_196 = tpu.memref_slice %arg4[%mul3A_2, %dma_wait3A_194, %dma_wait3A_195] : memref<16384x56x128xf32, #tpu.memory_space<hbm>> -> memref<2x50x128xf32, #tpu.memory_space<hbm>>
    %dma_wait3A_197 = arith.constant 0 : i32
    %dma_wait3A_198 = arith.constant 0 : i32
    %dma_wait3A_199 = tpu.memref_slice %arg4[%mul3A_2, %dma_wait3A_197, %dma_wait3A_198] : memref<16384x56x128xf32, #tpu.memory_space<hbm>> -> memref<2x50x128xf32, #tpu.memory_space<hbm>>
    %dma_wait3A_200 = arith.constant 0 : i32
    %dma_wait3A_201 = arith.constant 0 : i32
    %dma_wait3A_202 = arith.constant 0 : i32
    %dma_wait3A_203 = tpu.memref_slice %arg6[%dma_wait3A, %dma_wait3A_200, %dma_wait3A_201, %dma_wait3A_202] : memref<8x2x50x128xf32, #tpu.memory_space<vmem>> -> memref<1x2x50x128xf32, #tpu.memory_space<vmem>>
    %dma_wait3A_204 = tpu.memref_squeeze %dma_wait3A_203 : memref<1x2x50x128xf32, #tpu.memory_space<vmem>> -> memref<2x50x128xf32, #tpu.memory_space<vmem>>
    tpu.wait_dma2 semaphore(%arg15 : memref<!tpu.dma_semaphore, #tpu.memory_space<semaphore_mem>>) src(%dma_wait3A_204 : memref<2x50x128xf32, #tpu.memory_space<vmem>>) dst(%dma_wait3A_199 : memref<2x50x128xf32, #tpu.memory_space<hbm>>)
    %dma_wait3A_205 = arith.constant 1 : i32
    %dma_wait3A_206 = arith.constant 0 : i32
    %dma_wait3A_207 = arith.constant 0 : i32
    %dma_wait3A_208 = arith.constant 0 : i32
    %dma_wait3A_209 = tpu.memref_slice %arg6[%dma_wait3A_205, %dma_wait3A_206, %dma_wait3A_207, %dma_wait3A_208] : memref<8x2x50x128xf32, #tpu.memory_space<vmem>> -> memref<1x2x50x128xf32, #tpu.memory_space<vmem>>
    %dma_wait3A_210 = tpu.memref_squeeze %dma_wait3A_209 : memref<1x2x50x128xf32, #tpu.memory_space<vmem>> -> memref<2x50x128xf32, #tpu.memory_space<vmem>>
    %dma_wait3A_211 = arith.constant 0 : i32
    %dma_wait3A_212 = arith.constant 0 : i32
    %dma_wait3A_213 = tpu.memref_slice %arg4[%mul3A_2, %dma_wait3A_211, %dma_wait3A_212] : memref<16384x56x128xf32, #tpu.memory_space<hbm>> -> memref<2x50x128xf32, #tpu.memory_space<hbm>>
    %dma_wait3A_214 = arith.constant 0 : i32
    %dma_wait3A_215 = arith.constant 0 : i32
    %dma_wait3A_216 = tpu.memref_slice %arg4[%mul3A_2, %dma_wait3A_214, %dma_wait3A_215] : memref<16384x56x128xf32, #tpu.memory_space<hbm>> -> memref<2x50x128xf32, #tpu.memory_space<hbm>>
    %dma_wait3A_217 = arith.constant 0 : i32
    %dma_wait3A_218 = arith.constant 0 : i32
    %dma_wait3A_219 = arith.constant 0 : i32
    %dma_wait3A_220 = tpu.memref_slice %arg6[%dma_wait3A_205, %dma_wait3A_217, %dma_wait3A_218, %dma_wait3A_219] : memref<8x2x50x128xf32, #tpu.memory_space<vmem>> -> memref<1x2x50x128xf32, #tpu.memory_space<vmem>>
    %dma_wait3A_221 = tpu.memref_squeeze %dma_wait3A_220 : memref<1x2x50x128xf32, #tpu.memory_space<vmem>> -> memref<2x50x128xf32, #tpu.memory_space<vmem>>
    tpu.wait_dma2 semaphore(%arg16 : memref<!tpu.dma_semaphore, #tpu.memory_space<semaphore_mem>>) src(%dma_wait3A_221 : memref<2x50x128xf32, #tpu.memory_space<vmem>>) dst(%dma_wait3A_216 : memref<2x50x128xf32, #tpu.memory_space<hbm>>)
    %dma_wait3A_222 = arith.constant 2 : i32
    %dma_wait3A_223 = arith.constant 0 : i32
    %dma_wait3A_224 = arith.constant 0 : i32
    %dma_wait3A_225 = arith.constant 0 : i32
    %dma_wait3A_226 = tpu.memref_slice %arg6[%dma_wait3A_222, %dma_wait3A_223, %dma_wait3A_224, %dma_wait3A_225] : memref<8x2x50x128xf32, #tpu.memory_space<vmem>> -> memref<1x2x50x128xf32, #tpu.memory_space<vmem>>
    %dma_wait3A_227 = tpu.memref_squeeze %dma_wait3A_226 : memref<1x2x50x128xf32, #tpu.memory_space<vmem>> -> memref<2x50x128xf32, #tpu.memory_space<vmem>>
    %dma_wait3A_228 = arith.constant 0 : i32
    %dma_wait3A_229 = arith.constant 0 : i32
    %dma_wait3A_230 = tpu.memref_slice %arg4[%mul3A_2, %dma_wait3A_228, %dma_wait3A_229] : memref<16384x56x128xf32, #tpu.memory_space<hbm>> -> memref<2x50x128xf32, #tpu.memory_space<hbm>>
    %dma_wait3A_231 = arith.constant 0 : i32
    %dma_wait3A_232 = arith.constant 0 : i32
    %dma_wait3A_233 = tpu.memref_slice %arg4[%mul3A_2, %dma_wait3A_231, %dma_wait3A_232] : memref<16384x56x128xf32, #tpu.memory_space<hbm>> -> memref<2x50x128xf32, #tpu.memory_space<hbm>>
    %dma_wait3A_234 = arith.constant 0 : i32
    %dma_wait3A_235 = arith.constant 0 : i32
    %dma_wait3A_236 = arith.constant 0 : i32
    %dma_wait3A_237 = tpu.memref_slice %arg6[%dma_wait3A_222, %dma_wait3A_234, %dma_wait3A_235, %dma_wait3A_236] : memref<8x2x50x128xf32, #tpu.memory_space<vmem>> -> memref<1x2x50x128xf32, #tpu.memory_space<vmem>>
    %dma_wait3A_238 = tpu.memref_squeeze %dma_wait3A_237 : memref<1x2x50x128xf32, #tpu.memory_space<vmem>> -> memref<2x50x128xf32, #tpu.memory_space<vmem>>
    tpu.wait_dma2 semaphore(%arg17 : memref<!tpu.dma_semaphore, #tpu.memory_space<semaphore_mem>>) src(%dma_wait3A_238 : memref<2x50x128xf32, #tpu.memory_space<vmem>>) dst(%dma_wait3A_233 : memref<2x50x128xf32, #tpu.memory_space<hbm>>)
    %dma_wait3A_239 = arith.constant 3 : i32
    %dma_wait3A_240 = arith.constant 0 : i32
    %dma_wait3A_241 = arith.constant 0 : i32
    %dma_wait3A_242 = arith.constant 0 : i32
    %dma_wait3A_243 = tpu.memref_slice %arg6[%dma_wait3A_239, %dma_wait3A_240, %dma_wait3A_241, %dma_wait3A_242] : memref<8x2x50x128xf32, #tpu.memory_space<vmem>> -> memref<1x2x50x128xf32, #tpu.memory_space<vmem>>
    %dma_wait3A_244 = tpu.memref_squeeze %dma_wait3A_243 : memref<1x2x50x128xf32, #tpu.memory_space<vmem>> -> memref<2x50x128xf32, #tpu.memory_space<vmem>>
    %dma_wait3A_245 = arith.constant 0 : i32
    %dma_wait3A_246 = arith.constant 0 : i32
    %dma_wait3A_247 = tpu.memref_slice %arg4[%mul3A_2, %dma_wait3A_245, %dma_wait3A_246] : memref<16384x56x128xf32, #tpu.memory_space<hbm>> -> memref<2x50x128xf32, #tpu.memory_space<hbm>>
    %dma_wait3A_248 = arith.constant 0 : i32
    %dma_wait3A_249 = arith.constant 0 : i32
    %dma_wait3A_250 = tpu.memref_slice %arg4[%mul3A_2, %dma_wait3A_248, %dma_wait3A_249] : memref<16384x56x128xf32, #tpu.memory_space<hbm>> -> memref<2x50x128xf32, #tpu.memory_space<hbm>>
    %dma_wait3A_251 = arith.constant 0 : i32
    %dma_wait3A_252 = arith.constant 0 : i32
    %dma_wait3A_253 = arith.constant 0 : i32
    %dma_wait3A_254 = tpu.memref_slice %arg6[%dma_wait3A_239, %dma_wait3A_251, %dma_wait3A_252, %dma_wait3A_253] : memref<8x2x50x128xf32, #tpu.memory_space<vmem>> -> memref<1x2x50x128xf32, #tpu.memory_space<vmem>>
    %dma_wait3A_255 = tpu.memref_squeeze %dma_wait3A_254 : memref<1x2x50x128xf32, #tpu.memory_space<vmem>> -> memref<2x50x128xf32, #tpu.memory_space<vmem>>
    tpu.wait_dma2 semaphore(%arg18 : memref<!tpu.dma_semaphore, #tpu.memory_space<semaphore_mem>>) src(%dma_wait3A_255 : memref<2x50x128xf32, #tpu.memory_space<vmem>>) dst(%dma_wait3A_250 : memref<2x50x128xf32, #tpu.memory_space<hbm>>)
    %dma_wait3A_256 = arith.constant 4 : i32
    %dma_wait3A_257 = arith.constant 0 : i32
    %dma_wait3A_258 = arith.constant 0 : i32
    %dma_wait3A_259 = arith.constant 0 : i32
    %dma_wait3A_260 = tpu.memref_slice %arg6[%dma_wait3A_256, %dma_wait3A_257, %dma_wait3A_258, %dma_wait3A_259] : memref<8x2x50x128xf32, #tpu.memory_space<vmem>> -> memref<1x2x50x128xf32, #tpu.memory_space<vmem>>
    %dma_wait3A_261 = tpu.memref_squeeze %dma_wait3A_260 : memref<1x2x50x128xf32, #tpu.memory_space<vmem>> -> memref<2x50x128xf32, #tpu.memory_space<vmem>>
    %dma_wait3A_262 = arith.constant 0 : i32
    %dma_wait3A_263 = arith.constant 0 : i32
    %dma_wait3A_264 = tpu.memref_slice %arg4[%mul3A_2, %dma_wait3A_262, %dma_wait3A_263] : memref<16384x56x128xf32, #tpu.memory_space<hbm>> -> memref<2x50x128xf32, #tpu.memory_space<hbm>>
    %dma_wait3A_265 = arith.constant 0 : i32
    %dma_wait3A_266 = arith.constant 0 : i32
    %dma_wait3A_267 = tpu.memref_slice %arg4[%mul3A_2, %dma_wait3A_265, %dma_wait3A_266] : memref<16384x56x128xf32, #tpu.memory_space<hbm>> -> memref<2x50x128xf32, #tpu.memory_space<hbm>>
    %dma_wait3A_268 = arith.constant 0 : i32
    %dma_wait3A_269 = arith.constant 0 : i32
    %dma_wait3A_270 = arith.constant 0 : i32
    %dma_wait3A_271 = tpu.memref_slice %arg6[%dma_wait3A_256, %dma_wait3A_268, %dma_wait3A_269, %dma_wait3A_270] : memref<8x2x50x128xf32, #tpu.memory_space<vmem>> -> memref<1x2x50x128xf32, #tpu.memory_space<vmem>>
    %dma_wait3A_272 = tpu.memref_squeeze %dma_wait3A_271 : memref<1x2x50x128xf32, #tpu.memory_space<vmem>> -> memref<2x50x128xf32, #tpu.memory_space<vmem>>
    tpu.wait_dma2 semaphore(%arg19 : memref<!tpu.dma_semaphore, #tpu.memory_space<semaphore_mem>>) src(%dma_wait3A_272 : memref<2x50x128xf32, #tpu.memory_space<vmem>>) dst(%dma_wait3A_267 : memref<2x50x128xf32, #tpu.memory_space<hbm>>)
    %dma_wait3A_273 = arith.constant 5 : i32
    %dma_wait3A_274 = arith.constant 0 : i32
    %dma_wait3A_275 = arith.constant 0 : i32
    %dma_wait3A_276 = arith.constant 0 : i32
    %dma_wait3A_277 = tpu.memref_slice %arg6[%dma_wait3A_273, %dma_wait3A_274, %dma_wait3A_275, %dma_wait3A_276] : memref<8x2x50x128xf32, #tpu.memory_space<vmem>> -> memref<1x2x50x128xf32, #tpu.memory_space<vmem>>
    %dma_wait3A_278 = tpu.memref_squeeze %dma_wait3A_277 : memref<1x2x50x128xf32, #tpu.memory_space<vmem>> -> memref<2x50x128xf32, #tpu.memory_space<vmem>>
    %dma_wait3A_279 = arith.constant 0 : i32
    %dma_wait3A_280 = arith.constant 0 : i32
    %dma_wait3A_281 = tpu.memref_slice %arg4[%mul3A_2, %dma_wait3A_279, %dma_wait3A_280] : memref<16384x56x128xf32, #tpu.memory_space<hbm>> -> memref<2x50x128xf32, #tpu.memory_space<hbm>>
    %dma_wait3A_282 = arith.constant 0 : i32
    %dma_wait3A_283 = arith.constant 0 : i32
    %dma_wait3A_284 = tpu.memref_slice %arg4[%mul3A_2, %dma_wait3A_282, %dma_wait3A_283] : memref<16384x56x128xf32, #tpu.memory_space<hbm>> -> memref<2x50x128xf32, #tpu.memory_space<hbm>>
    %dma_wait3A_285 = arith.constant 0 : i32
    %dma_wait3A_286 = arith.constant 0 : i32
    %dma_wait3A_287 = arith.constant 0 : i32
    %dma_wait3A_288 = tpu.memref_slice %arg6[%dma_wait3A_273, %dma_wait3A_285, %dma_wait3A_286, %dma_wait3A_287] : memref<8x2x50x128xf32, #tpu.memory_space<vmem>> -> memref<1x2x50x128xf32, #tpu.memory_space<vmem>>
    %dma_wait3A_289 = tpu.memref_squeeze %dma_wait3A_288 : memref<1x2x50x128xf32, #tpu.memory_space<vmem>> -> memref<2x50x128xf32, #tpu.memory_space<vmem>>
    tpu.wait_dma2 semaphore(%arg20 : memref<!tpu.dma_semaphore, #tpu.memory_space<semaphore_mem>>) src(%dma_wait3A_289 : memref<2x50x128xf32, #tpu.memory_space<vmem>>) dst(%dma_wait3A_284 : memref<2x50x128xf32, #tpu.memory_space<hbm>>)
    %dma_wait3A_290 = arith.constant 6 : i32
    %dma_wait3A_291 = arith.constant 0 : i32
    %dma_wait3A_292 = arith.constant 0 : i32
    %dma_wait3A_293 = arith.constant 0 : i32
    %dma_wait3A_294 = tpu.memref_slice %arg6[%dma_wait3A_290, %dma_wait3A_291, %dma_wait3A_292, %dma_wait3A_293] : memref<8x2x50x128xf32, #tpu.memory_space<vmem>> -> memref<1x2x50x128xf32, #tpu.memory_space<vmem>>
    %dma_wait3A_295 = tpu.memref_squeeze %dma_wait3A_294 : memref<1x2x50x128xf32, #tpu.memory_space<vmem>> -> memref<2x50x128xf32, #tpu.memory_space<vmem>>
    %dma_wait3A_296 = arith.constant 0 : i32
    %dma_wait3A_297 = arith.constant 0 : i32
    %dma_wait3A_298 = tpu.memref_slice %arg4[%mul3A_2, %dma_wait3A_296, %dma_wait3A_297] : memref<16384x56x128xf32, #tpu.memory_space<hbm>> -> memref<2x50x128xf32, #tpu.memory_space<hbm>>
    %dma_wait3A_299 = arith.constant 0 : i32
    %dma_wait3A_300 = arith.constant 0 : i32
    %dma_wait3A_301 = tpu.memref_slice %arg4[%mul3A_2, %dma_wait3A_299, %dma_wait3A_300] : memref<16384x56x128xf32, #tpu.memory_space<hbm>> -> memref<2x50x128xf32, #tpu.memory_space<hbm>>
    %dma_wait3A_302 = arith.constant 0 : i32
    %dma_wait3A_303 = arith.constant 0 : i32
    %dma_wait3A_304 = arith.constant 0 : i32
    %dma_wait3A_305 = tpu.memref_slice %arg6[%dma_wait3A_290, %dma_wait3A_302, %dma_wait3A_303, %dma_wait3A_304] : memref<8x2x50x128xf32, #tpu.memory_space<vmem>> -> memref<1x2x50x128xf32, #tpu.memory_space<vmem>>
    %dma_wait3A_306 = tpu.memref_squeeze %dma_wait3A_305 : memref<1x2x50x128xf32, #tpu.memory_space<vmem>> -> memref<2x50x128xf32, #tpu.memory_space<vmem>>
    tpu.wait_dma2 semaphore(%arg21 : memref<!tpu.dma_semaphore, #tpu.memory_space<semaphore_mem>>) src(%dma_wait3A_306 : memref<2x50x128xf32, #tpu.memory_space<vmem>>) dst(%dma_wait3A_301 : memref<2x50x128xf32, #tpu.memory_space<hbm>>)
    %dma_wait3A_307 = arith.constant 7 : i32
    %dma_wait3A_308 = arith.constant 0 : i32
    %dma_wait3A_309 = arith.constant 0 : i32
    %dma_wait3A_310 = arith.constant 0 : i32
    %dma_wait3A_311 = tpu.memref_slice %arg6[%dma_wait3A_307, %dma_wait3A_308, %dma_wait3A_309, %dma_wait3A_310] : memref<8x2x50x128xf32, #tpu.memory_space<vmem>> -> memref<1x2x50x128xf32, #tpu.memory_space<vmem>>
    %dma_wait3A_312 = tpu.memref_squeeze %dma_wait3A_311 : memref<1x2x50x128xf32, #tpu.memory_space<vmem>> -> memref<2x50x128xf32, #tpu.memory_space<vmem>>
    %dma_wait3A_313 = arith.constant 0 : i32
    %dma_wait3A_314 = arith.constant 0 : i32
    %dma_wait3A_315 = tpu.memref_slice %arg4[%mul3A_2, %dma_wait3A_313, %dma_wait3A_314] : memref<16384x56x128xf32, #tpu.memory_space<hbm>> -> memref<2x50x128xf32, #tpu.memory_space<hbm>>
    %dma_wait3A_316 = arith.constant 0 : i32
    %dma_wait3A_317 = arith.constant 0 : i32
    %dma_wait3A_318 = tpu.memref_slice %arg4[%mul3A_2, %dma_wait3A_316, %dma_wait3A_317] : memref<16384x56x128xf32, #tpu.memory_space<hbm>> -> memref<2x50x128xf32, #tpu.memory_space<hbm>>
    %dma_wait3A_319 = arith.constant 0 : i32
    %dma_wait3A_320 = arith.constant 0 : i32
    %dma_wait3A_321 = arith.constant 0 : i32
    %dma_wait3A_322 = tpu.memref_slice %arg6[%dma_wait3A_307, %dma_wait3A_319, %dma_wait3A_320, %dma_wait3A_321] : memref<8x2x50x128xf32, #tpu.memory_space<vmem>> -> memref<1x2x50x128xf32, #tpu.memory_space<vmem>>
    %dma_wait3A_323 = tpu.memref_squeeze %dma_wait3A_322 : memref<1x2x50x128xf32, #tpu.memory_space<vmem>> -> memref<2x50x128xf32, #tpu.memory_space<vmem>>
    tpu.wait_dma2 semaphore(%arg22 : memref<!tpu.dma_semaphore, #tpu.memory_space<semaphore_mem>>) src(%dma_wait3A_323 : memref<2x50x128xf32, #tpu.memory_space<vmem>>) dst(%dma_wait3A_318 : memref<2x50x128xf32, #tpu.memory_space<hbm>>)
    return
  }
}

</mosaic_0001>

<sc_bundles>
// kernel: _gather_sc.3.cloned.1.call-start
scs
__scs_entry_jumppad:
0x0: {  	(pc) =	sbr.rel $0x88, $3  }
0x1: {  	(tag) =	ssettag $0x0;
	lr =	simm.s32 $0x1  }
0x2: {  	[smem:$0x3F9F] =	sst lr;
	_ =	strace $0xD0000000  }
0x3: {  	_ = 	snop  }
0x4: {  	_ = 	snop  }
0x5: {  	_ = 	snop  }
0x6: {  	_ = 	snop  }
0x7: {  	_ = 	snop  }
__scs_overlays_trampoline_lowered:
0x8: {  	[smem:$0x3FAE] =	sst s0  }
0x9: {  	[smem:$0x3FAF] =	sst s1  }
0xa: {  	[smem:$0x3FB0] =	sst s2  }
0xb: {  	[smem:$0x3FB1] =	sst s3  }
0xc: {  	[smem:$0x3FB2] =	sst s4  }
0xd: {  	[smem:$0x3FB3] =	sst s5  }
0xe: {  	[smem:$0x3FB4] =	sst s6  }
0xf: {  	[smem:$0x3FB5] =	sst s7  }
0x10: {  	[smem:$0x3FB6] =	sst s8  }
0x11: {  	[smem:$0x3FB7] =	sst s9;
	s0 =	simm.s32 @!p0 $0x0  }
0x12: {  	s1 =	sld [smem:$0x3F9D];
	s0 =	simm.s32 @p0 $0x1  }
0x13: {  	[smem:$0x3FB8] =	sst s0;
	s0 =	simm.s32 @!p1 $0x0  }
0x14: {  	s2 =	sld [smem:$0x3F9C];
	s0 =	simm.s32 @p1 $0x1  }
0x15: {  	[smem:$0x3FB9] =	sst s0;
	s0 =	simm.s32 @!p2 $0x0  }
0x16: {  	s3 =	sld [smem:$0x3FDB];
	s0 =	simm.s32 @p2 $0x1  }
0x17: {  	s4 =	simm.s32 $0x1BF5;
	[smem:$0x3FBB] =	sst s0  }
0x18: {  	s0 =	sld [smem:$0x3F9E];
	_ =	swait.ge [sflag:s4], $0x0  }
0x19: {  	s7 =	sld [smem:$0x3F9F]  }
0x1a: {  	s8 =	sadd.s32 $0xFFFFE003, lr  }
0x1b: {  	s9 =	sadd.s32 $0xFFFFFEF7, lr;
	s5 =	simm.s32 $0xFFFFFFFF;
	p2 =	slt.u32 s8, $0xFFFFF086  }
0x1c: {  	p1 =	slt.u32 s9, $0xF7A;
	s5 =	simm.s32 @!p2 $0x0  }
0x1d: {  	s5 =	simm.s32 @p1 $0x1;
	p0 =	seq.s32 s7, s2  }
0x1e: {  	s7 =	smul.u32 @!p0 $0xF7A, s2;
	p2 =	seq.s32 @!p0 s5, $0x0  }
0x1f: {  	s9 =	smul.u32 $0xF7A, s1;
	s8 =	simm.s32 @!p0 $0x1BF5;
	p2 =	por !p2, p0  }
0x20: {  	[sflag:s8] =	ssyncset.s32 @!p0 $0xFFFFF086;
	s6 =	sadd.s32 @!p0 s3, s7;
	s7 =	simm.s32 @!p0 $0x108  }
0x21: {  	s3 =	sadd.s32 s3, s9;
	s6 =	sadd.s32 @!p0 $0x88, s6;
	s7 =	simm.s32 @p2 $0x1082  }
0x22: {  	[simem:s7], [sflag:s8] =	dma.local @!p0 [hbm:s6], $0xF7A  }
0x23: {  	s9 =	sor.u32 $0xD0000000, s2;
	s6 =	simm.s32 $0x108;
	_ =	swait.ge @!p0 [sflag:s8], $0x0  }
0x24: {  	s3 =	sadd.s32 $0x88, s3;
	s6 =	simm.s32 @!p1 $0x1082;
	[sflag:s4] =	ssyncset.s32 $0xFFFFF086  }
0x25: {  	[simem:s6], [sflag:s4] =	dma.local [hbm:s3], $0xF7A  }
0x26: {  	[smem:$0x3F9F] =	sst s1;
	(tag) =	ssettag s2;
	_ =	strace s9  }
0x27: {  	s1 =	sld [smem:$0x3FAF]  }
0x28: {  	s2 =	sld [smem:$0x3FB0]  }
0x29: {  	s4 =	sld [smem:$0x3FB2]  }
0x2a: {  	p0 =	seq.s32 s5, $0x0;
	s5 =	sld [smem:$0x3FB3]  }
0x2b: {  	s6 =	sld [smem:$0x3FB4]  }
0x2c: {  	s7 =	sld [smem:$0x3FB5]  }
0x2d: {  	s3 =	simm.s32 $0x108;
	s8 =	sld [smem:$0x3FB6]  }
0x2e: {  	s3 =	simm.s32 @!p0 $0x1082;
	s9 =	sld [smem:$0x3FB7]  }
0x2f: {  	lr =	sadd.s32 s0, s3;
	s0 =	sld [smem:$0x3FAE]  }
0x30: {  	s3 =	sld [smem:$0x3FB1]  }
0x31: {  	[smem:$0x3FBA] =	sst s10  }
0x32: {  	s10 =	sld [smem:$0x3FB8];
	_ =	sdelay $0x3  }
0x33: {  	p0 =	seq.s32 s10, $0x1;
	s10 =	sld [smem:$0x3FBA];
	_ =	sdelay $0x3  }
0x34: {  	[smem:$0x3FBA] =	sst s10  }
0x35: {  	s10 =	sld [smem:$0x3FB9];
	_ =	sdelay $0x3  }
0x36: {  	p1 =	seq.s32 s10, $0x1;
	s10 =	sld [smem:$0x3FBA];
	_ =	sdelay $0x3  }
0x37: {  	[smem:$0x3FBA] =	sst s10  }
0x38: {  	s10 =	sld [smem:$0x3FBB]  }
0x39: {  	_ = 	snop;
	(pc) =	sbr.ind lr, $3  }
0x3a: {  	_ = 	snop  }
0x3b: {  	_ = 	snop  }
0x3c: {  	p2 =	seq.s32 s10, $0x1;
	s10 =	sld [smem:$0x3FBA]  }
0x3d: {  	_ =	shalt  }
0x3e: {  	_ =	shalt  }
0x3f: {  	_ =	shalt  }
0x40: {  	_ =	shalt  }
0x41: {  	_ =	shalt  }
0x42: {  	_ =	shalt  }
0x43: {  	_ =	shalt  }
0x44: {  	_ =	shalt  }
0x45: {  	_ =	shalt  }
0x46: {  	_ =	shalt  }
0x47: {  	_ =	shalt  }
0x48: {  	_ =	shalt  }
0x49: {  	_ =	shalt  }
0x4a: {  	_ =	shalt  }
0x4b: {  	_ =	shalt  }
0x4c: {  	_ =	shalt  }
0x4d: {  	_ =	shalt  }
0x4e: {  	_ =	shalt  }
0x4f: {  	_ =	shalt  }
0x50: {  	_ =	shalt  }
0x51: {  	_ =	shalt  }
0x52: {  	_ =	shalt  }
0x53: {  	_ =	shalt  }
0x54: {  	_ =	shalt  }
0x55: {  	_ =	shalt  }
0x56: {  	_ =	shalt  }
0x57: {  	_ =	shalt  }
0x58: {  	_ =	shalt  }
0x59: {  	_ =	shalt  }
0x5a: {  	_ =	shalt  }
0x5b: {  	_ =	shalt  }
0x5c: {  	_ =	shalt  }
0x5d: {  	_ =	shalt  }
0x5e: {  	_ =	shalt  }
0x5f: {  	_ =	shalt  }
0x60: {  	_ =	shalt  }
0x61: {  	_ =	shalt  }
0x62: {  	_ =	shalt  }
0x63: {  	_ =	shalt  }
0x64: {  	_ =	shalt  }
0x65: {  	_ =	shalt  }
0x66: {  	_ =	shalt  }
0x67: {  	_ =	shalt  }
0x68: {  	_ =	shalt  }
0x69: {  	_ =	shalt  }
0x6a: {  	_ =	shalt  }
0x6b: {  	_ =	shalt  }
0x6c: {  	_ =	shalt  }
0x6d: {  	_ =	shalt  }
0x6e: {  	_ =	shalt  }
0x6f: {  	_ =	shalt  }
0x70: {  	_ =	shalt  }
0x71: {  	_ =	shalt  }
0x72: {  	_ =	shalt  }
0x73: {  	_ =	shalt  }
0x74: {  	_ =	shalt  }
0x75: {  	_ =	shalt  }
0x76: {  	_ =	shalt  }
0x77: {  	_ =	shalt  }
0x78: {  	_ =	shalt  }
0x79: {  	_ =	shalt  }
0x7a: {  	_ =	shalt  }
0x7b: {  	_ =	shalt  }
0x7c: {  	_ =	shalt  }
0x7d: {  	_ =	shalt  }
0x7e: {  	_ =	shalt  }
0x7f: {  	_ =	shalt  }
0x80: {  	_ =	shalt  }
0x81: {  	_ =	shalt  }
0x82: {  	_ =	shalt  }
0x83: {  	_ =	shalt  }
0x84: {  	_ =	shalt  }
0x85: {  	_ =	shalt  }
0x86: {  	_ =	shalt  }
0x87: {  	_ =	shalt  }
.Lfunc_end0:
.L_simem_size_0:
called_computation_lowered:
.L_overlay_start_0:
0x88: {  	s2 =	sld [smem:$0x3FD9]  }
0x89: {  	s3 =	sld [smem:$0x3FFE];
	_ =	sdelay $0x1  }
0x8a: {  	s1 =	srdreg.scid  }
0x8b: {  	s0 =	sand.u32 $0x1, s1  }
0x8c: {  	s17 =	sshll.u32 s0, $0xA;
	s2 =	sadd.s32 s3, s2  }
0x8d: {  	s2 =	sadd.s32 s2, s17  }
0x8e: {  	[smem:$0x3FC6] =	sst s2  }
0x8f: {  	_ = 	snop  }
0x90: {  	s2 =	sld [smem:$0x3FC9]  }
0x91: {  	s18 =	sld [smem:$0x3FD0];
	(tm) =	ssettm $0x1  }
0x92: {  	s4 =	sld [smem:$0x3FFB];
	_ =	sdelay $0x3  }
0x93: {  	_ =	strace s4  }
0x94: {  	s4 =	sld [smem:$0x3FFC];
	_ =	sdelay $0x3  }
0x95: {  	_ =	strace s4  }
0x96: {  	s4 =	sld [smem:$0x3FFD];
	_ =	sdelay $0x3  }
0x97: {  	_ =	strace s4  }
0x98: {  	_ =	strace $0x8FFFFFFF  }
0x99: {  	s19 =	sld [smem:$0x3FDB];
	_ =	sdelay $0x1  }
0x9a: {  	s5 =	simm.s32 $_scs_section_size  }
0x9b: {  	s6 =	simm.s32 $_size__tile_overlayer_lowered;
	s7 =	simm.s32 $_tile_overlayer_lowered  }
0x9c: {  	s22 =	simm.s32 $0x1BFF;
	s21 =	sshll.u32 s7, $0x1;
	s4 =	sadd.s32 s5, s19  }
0x9d: {  	s8 =	simm.s32 $0x0;
	s20 =	sshll.u32 s6, $0x1;
	s6 =	sadd.s32 s21, s4  }
0x9e: {  	[timem:s8], [sflag:s22] =	dma.local [hbm:s6], s20  }
0x9f: {  	_ =	swait.ge [sflag:s22], s20  }
0xa0: {  	s5 =	ssub.s32 $0x0, s20;
	[sflag:s22] =	ssyncset.done $0x0  }
0xa1: {  	[sflag:s22] =	ssyncadd.s32 s5;
	_ =	sdelay $0x1  }
0xa2: {  	s23 =	simm.s32 $0x1B8B  }
0xa3: {  	_ =	swait.ge [sflag:s23], $0x1  }
0xa4: {  	[sflag:s23] =	ssyncset.done $0x0  }
0xa5: {  	s25 =	simm.s32 $0x1B8E;
	s24 =	sld [smem:$0x3FFE];
	[sflag:s23] =	ssyncadd.s32 $0xFFFFFFFF  }
0xa6: {  	s26 =	simm.s32 $execute0_lowered;
	[smem:$0x3FD2] =	sst s25  }
0xa7: {  	s6 =	sshll.u32 s26, $0x1;
	_ =	strace $0x80000046;
	[dreg:$0x1] =	wrdreg $0xFFFFFFFF  }
0xa8: {  	s28 =	simm.s32 $_size_execute0_lowered;
	s4 =	sadd.s32 s4, s6;
	[dreg:$0x0] =	wrdreg $0x0  }
0xa9: {  	s6 =	sshll.u32 s28, $0x1;
	[dreg:$0x2] =	wrdreg s4  }
0xaa: {  	[dreg:$0x3] =	wrdreg s6  }
0xab: {  	[dreg:$0x4] =	wrdreg $0xC0  }
0xac: {  	_ =	task [dreg:s8], $0x5FFFF  }
0xad: {  	[dreg:$0x1] =	wrdreg $0xFFFFFFFF  }
0xae: {  	[dreg:$0x0] =	wrdreg $0x60  }
0xaf: {  	[dreg:$0x2] =	wrdreg s2  }
0xb0: {  	[dreg:$0x3] =	wrdreg s24  }
0xb1: {  	[dreg:$0x4] =	wrdreg s18  }
0xb2: {  	[dreg:$0x5] =	wrdreg $0x9  }
0xb3: {  	_ =	task.clear_ibuf [dreg:s8], $0x6FFFF;
	_ =	strace $0x90000046  }
0xb4: {  	s29 =	simm.s32 $0x9;
	_ =	strace $0x80000048  }
0xb5: {  	_ =	swait.ge [sflag:s29], $0x1  }
0xb6: {  	[sflag:s29] =	ssyncadd.s32 $0xFFFFFFFF  }
0xb7: {  	_ =	strace $0x90000048  }
0xb8: {  	_ =	sfence  }
0xb9: {  	s30 =	sld [smem:$0x0];
	_ =	sdelay $0x2  }
0xba: {  	s31 =	sshll.u32 s1, $0xD;
	s1 =	sshrl.u32 s1, $0x2  }
0xbb: {  	s3 =	sand.u32 $0x4000, s31;
	s1 =	sadd.s32 s1, s30  }
0xbc: {  	s0 =	sor.u32 s3, s0;
	s1 =	sshll.u32 s1, $0x11  }
0xbd: {  	s0 =	sor.u32 s1, s0  }
0xbe: {  	s0 =	sadd.s32 $0x8F2B, s0  }
0xbf: {  	[sflag:s0] =	ssyncadd.remote.s32 $0x1  }
0xc0: {  	_ =	sfence.sel $0xFFFF  }
0xc1: {  	[dreg:$0x0] =	wrdreg $0xFFFFFFFF;
	(pc) =	sbr.abs _section_cstart, $3  }
0xc2: {  	[dreg:$0x1] =	wrdreg $0xFFFFFFFF  }
0xc3: {  	_ =	task.clear_ibuf [dreg:s8], $0x2FFFF;
	_ =	strace $0x9FFFFFFF  }
0xc4: {  	(tm) =	ssettm $0x7FFFFFFF  }
0xc5: {  	_ =	shalt  }
tec
execute0_lowered:
.L_overlay_start_1:
0x0: {  	(tag) =	ssettag $0x1  }
0x1: {  	s0 =	srdreg.scid;
	s1 =	rddreg [dreg:$0x0]  }
0x2: {  	s6 =	stileid.u32;
	s2 =	rddreg [dreg:$0x1]  }
0x3: {  	s5 =	rddreg [dreg:$0x2];
	s24 =	simm.s32 $0x0;
	s31 =	simm.s32 $0x1E700  }
0x4: {  	s14 =	simm.s32 $0x1CE00;
	s15 =	simm.s32 $0x1;
	s16 =	simm.s32 $0x1900  }
0x5: {  	s18 =	simm.s32 $0x1C00;
	s19 =	simm.s32 $0x2;
	s20 =	simm.s32 $0x3  }
0x6: {  	s22 =	simm.s32 $0x4;
	s23 =	simm.s32 $0x5;
	s28 =	simm.s32 $0x8  }
0x7: {  	s0 =	sand.u32 $0x1, s0;
	s3 =	sshll.u32 s6, $0xA;
	[smem:$0x7FF] =	sst s24  }
0x8: {  	s6 =	smul.u32 $0xE0000, s6;
	s4 =	sshll.u32 s0, $0x9;
	s25 =	ssub.s32 $0x2, s0  }
0x9: {  	_ =	strace $0x80000047;
	s0 =	smul.u32 $0x70000, s0;
	s3 =	sor.u32 s4, s3  }
0xa: {  	s7 =	sshrl.u32 s25, $0x1;
	s29 =	sadd.s32 s6, s5;
	s3 =	smul.u32 $0x7, s3  }
0xb: {  	[dreg:$0x4] =	wrdreg s31;
	s26 =	ssub.s32 s25, s7;
	s0 =	sadd.s32 s0, s29  }
0xc: {  	s30 =	smax.u32 s26, $0x1;
	[dreg:$0x7] =	wrdreg s0;
	s2 =	sadd.s32 s3, s2  }
0xd: {  	s24 =	simm.s32 $0x6;
	[dreg:$0x6] =	wrdreg s30;
	s2 =	sadd.s32 $0x400, s2  }
0xe: {  	s26 =	simm.s32 $0x7;
	s3 =	simm.s32 $0x0;
	[dreg:$0x5] =	wrdreg s2  }
.LBB2_1:
0xf: {  	[dreg:$0x8] =	wrdreg s3  }
0x10: {  	s0 =	simm.s32 $0x0;
	s2 =	rddreg [dreg:$0x5];
	s21 =	simm.s32 $0x11  }
0x11: {  	[tilespmem:s0], [sflag:$0x11] =	stream.linear.gather [hbm4b:s2+s0], $0x7000, $0x38;
	v63 =	vld [tilespmem:$0x0]  }
0x12: {  	_ =	swait.ge [sflag:s21], $0x7000  }
0x13: {  	[sflag:s21] =	ssyncset.done $0x0  }
0x14: {  	s3 =	simm.s32 $0x32;
	s4 =	simm.s32 $0x7000;
	[sflag:s21] =	ssyncadd.s32 $0xFFFF9000  }
0x15: {  	[tilespmem:s4], [sflag:$0x1] =	stream.indirect.gather [hbm4b:s1+s3], $0x80, s0, s3, $0xb8;
	v63 =	vld [tilespmem:$0x0]  }
0x16: {  	s25 =	simm.s32 $0x38;
	s30 =	simm.s32 $0x8900  }
0x17: {  	[tilespmem:s30], [sflag:$0x1] =	stream.indirect.gather [hbm4b:s1+s3], $0x80, s25, s3, $0xb8;
	v63 =	vld [tilespmem:$0x0]  }
0x18: {  	s5 =	simm.s32 $0x70;
	s6 =	simm.s32 $0xA200  }
0x19: {  	[tilespmem:s6], [sflag:$0x2] =	stream.indirect.gather [hbm4b:s1+s3], $0x80, s5, s3, $0xb8;
	v63 =	vld [tilespmem:$0x0]  }
0x1a: {  	s7 =	simm.s32 $0xA8;
	s8 =	simm.s32 $0xBB00  }
0x1b: {  	[tilespmem:s8], [sflag:$0x2] =	stream.indirect.gather [hbm4b:s1+s3], $0x80, s7, s3, $0xb8;
	v63 =	vld [tilespmem:$0x0]  }
0x1c: {  	s9 =	simm.s32 $0xE0;
	s7 =	simm.s32 $0xD400  }
0x1d: {  	[tilespmem:s7], [sflag:$0x3] =	stream.indirect.gather [hbm4b:s1+s3], $0x80, s9, s3, $0xb8;
	v63 =	vld [tilespmem:$0x0]  }
0x1e: {  	s10 =	simm.s32 $0x118;
	s11 =	simm.s32 $0xED00  }
0x1f: {  	[tilespmem:s11], [sflag:$0x3] =	stream.indirect.gather [hbm4b:s1+s3], $0x80, s10, s3, $0xb8;
	v63 =	vld [tilespmem:$0x0]  }
0x20: {  	s12 =	simm.s32 $0x150;
	s8 =	simm.s32 $0x10600  }
0x21: {  	[tilespmem:s8], [sflag:$0x4] =	stream.indirect.gather [hbm4b:s1+s3], $0x80, s12, s3, $0xb8;
	v63 =	vld [tilespmem:$0x0]  }
0x22: {  	s13 =	simm.s32 $0x188;
	s17 =	simm.s32 $0x11F00  }
0x23: {  	[tilespmem:s17], [sflag:$0x4] =	stream.indirect.gather [hbm4b:s1+s3], $0x80, s13, s3, $0xb8;
	v63 =	vld [tilespmem:$0x0]  }
0x24: {  	s21 =	simm.s32 $0x1C0;
	s9 =	simm.s32 $0x13800  }
0x25: {  	[tilespmem:s9], [sflag:$0x5] =	stream.indirect.gather [hbm4b:s1+s3], $0x80, s21, s3, $0xb8;
	v63 =	vld [tilespmem:$0x0]  }
0x26: {  	s25 =	simm.s32 $0x1F8;
	s30 =	simm.s32 $0x15100  }
0x27: {  	[tilespmem:s30], [sflag:$0x5] =	stream.indirect.gather [hbm4b:s1+s3], $0x80, s25, s3, $0xb8;
	v63 =	vld [tilespmem:$0x0]  }
0x28: {  	s5 =	simm.s32 $0x230;
	s10 =	simm.s32 $0x16A00  }
0x29: {  	[tilespmem:s10], [sflag:$0x6] =	stream.indirect.gather [hbm4b:s1+s3], $0x80, s5, s3, $0xb8;
	v63 =	vld [tilespmem:$0x0]  }
0x2a: {  	p0 =	por $0x1, $0x1;
	s11 =	simm.s32 $0x268;
	s12 =	simm.s32 $0x18300  }
0x2b: {  	[tilespmem:s12], [sflag:$0x6] =	stream.indirect.gather [hbm4b:s1+s3], $0x80, s11, s3, $0xb8;
	v63 =	vld [tilespmem:$0x0]  }
0x2c: {  	p0 =	por p0, p0;
	s13 =	simm.s32 $0x2A0;
	s11 =	simm.s32 $0x19C00  }
0x2d: {  	[tilespmem:s11], [sflag:$0x7] =	stream.indirect.gather [hbm4b:s1+s3], $0x80, s13, s3, $0xb8;
	v63 =	vld [tilespmem:$0x0]  }
0x2e: {  	s0 =	simm.s32 @!p0 $0x10;
	s17 =	simm.s32 $0x2D8;
	s21 =	simm.s32 $0x1B500  }
0x2f: {  	[tilespmem:s21], [sflag:$0x7] =	stream.indirect.gather [hbm4b:s1+s3], $0x80, s17, s3, $0xb8;
	v63 =	vld [tilespmem:$0x0]  }
0x30: {  	_ =	swait.ge @!p0 [sflag:s0], $0x3200  }
0x31: {  	[sflag:s0] =	ssyncset.done @!p0 $0x0  }
0x32: {  	s25 =	simm.s32 $0x310;
	[sflag:s0] =	ssyncadd.s32 @!p0 $0xFFFFCE00  }
0x33: {  	[tilespmem:s14], [sflag:$0x8] =	stream.indirect.gather [hbm4b:s1+s3], $0x80, s25, s3, $0xb8;
	v63 =	vld [tilespmem:$0x0]  }
0x34: {  	s5 =	simm.s32 $0x348;
	s30 =	rddreg [dreg:$0x4]  }
0x35: {  	[tilespmem:s30], [sflag:$0x8] =	stream.indirect.gather [hbm4b:s1+s3], $0x80, s5, s3, $0xb8;
	v63 =	vld [tilespmem:$0x0]  }
0x36: {  	_ =	swait.ge [sflag:s15], $0x3200  }
0x37: {  	p0 =	por $0x0, $0x0;
	[sflag:s15] =	ssyncset.done $0x0  }
0x38: {  	s2 =	simm.s32 @!p0 $0x9;
	s5 =	rddreg [dreg:$0x7];
	[sflag:s15] =	ssyncadd.s32 $0xFFFFCE00  }
0x39: {  	[hbm4b:s5+s16] =	stream.strided.scatter [tilespmem:s4], [sflag:$0x9], $0x3200, s18, s16, $0x38;
	v63 =	vld [tilespmem:$0x0]  }
0x3a: {  	_ =	swait.ge @!p0 [sflag:s2], $0x3200  }
0x3b: {  	s0 =	simm.s32 @!p0 $0x32;
	[sflag:s2] =	ssyncset.done @!p0 $0x0  }
0x3c: {  	s3 =	simm.s32 @!p0 $0x380;
	s4 =	simm.s32 @!p0 $0x7000;
	[sflag:s2] =	ssyncadd.s32 @!p0 $0xFFFFCE00  }
0x3d: {  	[tilespmem:s4], [sflag:$0x1] =	stream.indirect.gather @!p0 [hbm4b:s1+s0], $0x80, s3, s0, $0xb8;
	v63 =	vld [tilespmem:$0x0]  }
0x3e: {  	s2 =	simm.s32 @!p0 $0x3B8;
	s3 =	simm.s32 @!p0 $0x8900  }
0x3f: {  	[tilespmem:s3], [sflag:$0x1] =	stream.indirect.gather @!p0 [hbm4b:s1+s0], $0x80, s2, s0, $0xb8;
	v63 =	vld [tilespmem:$0x0]  }
0x40: {  	_ =	swait.ge [sflag:s19], $0x3200  }
0x41: {  	[sflag:s19] =	ssyncset.done $0x0  }
0x42: {  	s12 =	sadd.s32 $0x700, s5;
	s3 =	simm.s32 @!p0 $0xA;
	[sflag:s19] =	ssyncadd.s32 $0xFFFFCE00  }
0x43: {  	[hbm4b:s12+s16] =	stream.strided.scatter [tilespmem:s6], [sflag:$0xA], $0x3200, s18, s16, $0x38;
	v63 =	vld [tilespmem:$0x0]  }
0x44: {  	_ =	swait.ge @!p0 [sflag:s3], $0x3200  }
0x45: {  	[sflag:s3] =	ssyncset.done @!p0 $0x0  }
0x46: {  	s4 =	simm.s32 @!p0 $0xA200;
	s2 =	simm.s32 @!p0 $0x3F0;
	[sflag:s3] =	ssyncadd.s32 @!p0 $0xFFFFCE00  }
0x47: {  	[tilespmem:s4], [sflag:$0x2] =	stream.indirect.gather @!p0 [hbm4b:s1+s0], $0x80, s2, s0, $0xb8;
	v63 =	vld [tilespmem:$0x0]  }
0x48: {  	s3 =	simm.s32 @!p0 $0xBB00;
	s2 =	simm.s32 @!p0 $0x428  }
0x49: {  	[tilespmem:s3], [sflag:$0x2] =	stream.indirect.gather @!p0 [hbm4b:s1+s0], $0x80, s2, s0, $0xb8;
	v63 =	vld [tilespmem:$0x0]  }
0x4a: {  	_ =	swait.ge [sflag:s20], $0x3200  }
0x4b: {  	[sflag:s20] =	ssyncset.done $0x0  }
0x4c: {  	s13 =	sadd.s32 $0xE00, s5;
	s3 =	simm.s32 @!p0 $0xB;
	[sflag:s20] =	ssyncadd.s32 $0xFFFFCE00  }
0x4d: {  	[hbm4b:s13+s16] =	stream.strided.scatter [tilespmem:s7], [sflag:$0xB], $0x3200, s18, s16, $0x38;
	v63 =	vld [tilespmem:$0x0]  }
0x4e: {  	_ =	swait.ge @!p0 [sflag:s3], $0x3200  }
0x4f: {  	[sflag:s3] =	ssyncset.done @!p0 $0x0  }
0x50: {  	s4 =	simm.s32 @!p0 $0xD400;
	s2 =	simm.s32 @!p0 $0x460;
	[sflag:s3] =	ssyncadd.s32 @!p0 $0xFFFFCE00  }
0x51: {  	[tilespmem:s4], [sflag:$0x3] =	stream.indirect.gather @!p0 [hbm4b:s1+s0], $0x80, s2, s0, $0xb8;
	v63 =	vld [tilespmem:$0x0]  }
0x52: {  	s3 =	simm.s32 @!p0 $0xED00;
	s2 =	simm.s32 @!p0 $0x498  }
0x53: {  	[tilespmem:s3], [sflag:$0x3] =	stream.indirect.gather @!p0 [hbm4b:s1+s0], $0x80, s2, s0, $0xb8;
	v63 =	vld [tilespmem:$0x0]  }
0x54: {  	_ =	swait.ge [sflag:s22], $0x3200  }
0x55: {  	[sflag:s22] =	ssyncset.done $0x0  }
0x56: {  	s17 =	sadd.s32 $0x1500, s5;
	s3 =	simm.s32 @!p0 $0xC;
	[sflag:s22] =	ssyncadd.s32 $0xFFFFCE00  }
0x57: {  	[hbm4b:s17+s16] =	stream.strided.scatter [tilespmem:s8], [sflag:$0xC], $0x3200, s18, s16, $0x38;
	v63 =	vld [tilespmem:$0x0]  }
0x58: {  	_ =	swait.ge @!p0 [sflag:s3], $0x3200  }
0x59: {  	[sflag:s3] =	ssyncset.done @!p0 $0x0  }
0x5a: {  	s4 =	simm.s32 @!p0 $0x10600;
	s2 =	simm.s32 @!p0 $0x4D0;
	[sflag:s3] =	ssyncadd.s32 @!p0 $0xFFFFCE00  }
0x5b: {  	[tilespmem:s4], [sflag:$0x4] =	stream.indirect.gather @!p0 [hbm4b:s1+s0], $0x80, s2, s0, $0xb8;
	v63 =	vld [tilespmem:$0x0]  }
0x5c: {  	s3 =	simm.s32 @!p0 $0x11F00;
	s2 =	simm.s32 @!p0 $0x508  }
0x5d: {  	[tilespmem:s3], [sflag:$0x4] =	stream.indirect.gather @!p0 [hbm4b:s1+s0], $0x80, s2, s0, $0xb8;
	v63 =	vld [tilespmem:$0x0]  }
0x5e: {  	_ =	swait.ge [sflag:s23], $0x3200  }
0x5f: {  	[sflag:s23] =	ssyncset.done $0x0  }
0x60: {  	s21 =	sadd.s32 $0x1C00, s5;
	s3 =	simm.s32 @!p0 $0xD;
	[sflag:s23] =	ssyncadd.s32 $0xFFFFCE00  }
0x61: {  	[hbm4b:s21+s16] =	stream.strided.scatter [tilespmem:s9], [sflag:$0xD], $0x3200, s18, s16, $0x38;
	v63 =	vld [tilespmem:$0x0]  }
0x62: {  	_ =	swait.ge @!p0 [sflag:s3], $0x3200  }
0x63: {  	[sflag:s3] =	ssyncset.done @!p0 $0x0  }
0x64: {  	s4 =	simm.s32 @!p0 $0x13800;
	s2 =	simm.s32 @!p0 $0x540;
	[sflag:s3] =	ssyncadd.s32 @!p0 $0xFFFFCE00  }
0x65: {  	[tilespmem:s4], [sflag:$0x5] =	stream.indirect.gather @!p0 [hbm4b:s1+s0], $0x80, s2, s0, $0xb8;
	v63 =	vld [tilespmem:$0x0]  }
0x66: {  	s3 =	simm.s32 @!p0 $0x15100;
	s2 =	simm.s32 @!p0 $0x578  }
0x67: {  	[tilespmem:s3], [sflag:$0x5] =	stream.indirect.gather @!p0 [hbm4b:s1+s0], $0x80, s2, s0, $0xb8;
	v63 =	vld [tilespmem:$0x0]  }
0x68: {  	_ =	swait.ge [sflag:s24], $0x3200  }
0x69: {  	[sflag:s24] =	ssyncset.done $0x0  }
0x6a: {  	s25 =	sadd.s32 $0x2300, s5;
	s3 =	simm.s32 @!p0 $0xE;
	[sflag:s24] =	ssyncadd.s32 $0xFFFFCE00  }
0x6b: {  	[hbm4b:s25+s16] =	stream.strided.scatter [tilespmem:s10], [sflag:$0xE], $0x3200, s18, s16, $0x38;
	v63 =	vld [tilespmem:$0x0]  }
0x6c: {  	_ =	swait.ge @!p0 [sflag:s3], $0x3200  }
0x6d: {  	[sflag:s3] =	ssyncset.done @!p0 $0x0  }
0x6e: {  	s4 =	simm.s32 @!p0 $0x16A00;
	s2 =	simm.s32 @!p0 $0x5B0;
	[sflag:s3] =	ssyncadd.s32 @!p0 $0xFFFFCE00  }
0x6f: {  	[tilespmem:s4], [sflag:$0x6] =	stream.indirect.gather @!p0 [hbm4b:s1+s0], $0x80, s2, s0, $0xb8;
	v63 =	vld [tilespmem:$0x0]  }
0x70: {  	s3 =	simm.s32 @!p0 $0x18300;
	s2 =	simm.s32 @!p0 $0x5E8  }
0x71: {  	[tilespmem:s3], [sflag:$0x6] =	stream.indirect.gather @!p0 [hbm4b:s1+s0], $0x80, s2, s0, $0xb8;
	v63 =	vld [tilespmem:$0x0]  }
0x72: {  	_ =	swait.ge [sflag:s26], $0x3200  }
0x73: {  	[sflag:s26] =	ssyncset.done $0x0  }
0x74: {  	s30 =	sadd.s32 $0x2A00, s5;
	s3 =	simm.s32 @!p0 $0xF;
	[sflag:s26] =	ssyncadd.s32 $0xFFFFCE00  }
0x75: {  	[hbm4b:s30+s16] =	stream.strided.scatter [tilespmem:s11], [sflag:$0xF], $0x3200, s18, s16, $0x38;
	v63 =	vld [tilespmem:$0x0]  }
0x76: {  	_ =	swait.ge @!p0 [sflag:s3], $0x3200  }
0x77: {  	s31 =	simm.s32 $0xE00;
	[sflag:s3] =	ssyncset.done @!p0 $0x0  }
0x78: {  	s2 =	simm.s32 @!p0 $0x620;
	[sflag:s3] =	ssyncadd.s32 @!p0 $0xFFFFCE00;
	s3 =	simm.s32 @!p0 $0x19C00  }
0x79: {  	[tilespmem:s3], [sflag:$0x7] =	stream.indirect.gather @!p0 [hbm4b:s1+s0], $0x80, s2, s0, $0xb8;
	v63 =	vld [tilespmem:$0x0]  }
0x7a: {  	p1 =	por $0x0, $0x0;
	s2 =	simm.s32 @!p0 $0x658;
	s3 =	simm.s32 @!p0 $0x1B500  }
0x7b: {  	[tilespmem:s3], [sflag:$0x7] =	stream.indirect.gather @!p0 [hbm4b:s1+s0], $0x80, s2, s0, $0xb8;
	v63 =	vld [tilespmem:$0x0]  }
0x7c: {  	s29 =	simm.s32 $0x1C00;
	s7 =	sadd.s32 $0x3800, s5;
	_ =	swait.ge [sflag:s28], $0x3200  }
0x7d: {  	p0 =	por p1, p1;
	s0 =	sadd.s32 $0x3100, s5;
	[sflag:s28] =	ssyncset.done $0x0  }
.LBB2_2:
0x7e: {  	s2 =	simm.s32 @!p0 $0x10;
	[sflag:s28] =	ssyncadd.s32 $0xFFFFCE00  }
0x7f: {  	[hbm4b:s0+s16] =	stream.strided.scatter [tilespmem:s14], [sflag:$0x10], $0x3200, s18, s16, $0x38;
	v63 =	vld [tilespmem:$0x0]  }
0x80: {  	_ =	swait.ge @!p0 [sflag:s2], $0x3200  }
0x81: {  	s25 =	sshra.s32 s31, $0x2;
	[sflag:s2] =	ssyncset.done @!p0 $0x0  }
0x82: {  	s4 =	simm.s32 $0x32;
	s30 =	sadd.s32 $0x310, s25;
	[sflag:s2] =	ssyncadd.s32 @!p0 $0xFFFFCE00  }
0x83: {  	[tilespmem:s14], [sflag:$0x8] =	stream.indirect.gather [hbm4b:s1+s4], $0x80, s30, s4, $0xb8;
	v63 =	vld [tilespmem:$0x0]  }
0x84: {  	s0 =	sadd.s32 $0x348, s25;
	s3 =	rddreg [dreg:$0x4]  }
0x85: {  	[tilespmem:s3], [sflag:$0x8] =	stream.indirect.gather [hbm4b:s1+s4], $0x80, s0, s4, $0xb8;
	v63 =	vld [tilespmem:$0x0]  }
0x86: {  	p2 =	seq.s32 s29, $0x0;
	_ =	swait.ge [sflag:s15], $0x3200  }
0x87: {  	p0 =	por p2, p2;
	p2 =	seq.s32 s31, $0x1B200;
	[sflag:s15] =	ssyncset.done $0x0  }
0x88: {  	s5 =	simm.s32 $0x7000;
	s0 =	simm.s32 @!p2 $0x9;
	[sflag:s15] =	ssyncadd.s32 $0xFFFFCE00  }
0x89: {  	[hbm4b:s7+s16] =	stream.strided.scatter [tilespmem:s5], [sflag:$0x9], $0x3200, s18, s16, $0x38;
	v63 =	vld [tilespmem:$0x0]  }
0x8a: {  	_ =	swait.ge @!p2 [sflag:s0], $0x3200  }
0x8b: {  	s11 =	sshra.s32 @!p2 s31, $0x2;
	s2 =	simm.s32 @!p2 $0x32;
	[sflag:s0] =	ssyncset.done @!p2 $0x0  }
0x8c: {  	s9 =	simm.s32 @!p2 $0x7000;
	s4 =	sadd.s32 @!p2 $0x380, s11;
	[sflag:s0] =	ssyncadd.s32 @!p2 $0xFFFFCE00  }
0x8d: {  	[tilespmem:s9], [sflag:$0x1] =	stream.indirect.gather @!p2 [hbm4b:s1+s2], $0x80, s4, s2, $0xb8;
	v63 =	vld [tilespmem:$0x0]  }
0x8e: {  	s5 =	sadd.s32 @!p2 $0x3B8, s11;
	s0 =	simm.s32 @!p2 $0x8900  }
0x8f: {  	[tilespmem:s0], [sflag:$0x1] =	stream.indirect.gather @!p2 [hbm4b:s1+s2], $0x80, s5, s2, $0xb8;
	v63 =	vld [tilespmem:$0x0]  }
0x90: {  	_ =	swait.ge [sflag:s19], $0x3200  }
0x91: {  	s8 =	sadd.s32 $0x700, s7;
	[sflag:s19] =	ssyncset.done $0x0  }
0x92: {  	s10 =	simm.s32 $0xA200;
	s31 =	simm.s32 @!p2 $0xA;
	[sflag:s19] =	ssyncadd.s32 $0xFFFFCE00  }
0x93: {  	[hbm4b:s8+s16] =	stream.strided.scatter [tilespmem:s10], [sflag:$0xA], $0x3200, s18, s16, $0x38;
	v63 =	vld [tilespmem:$0x0]  }
0x94: {  	_ =	swait.ge @!p2 [sflag:s31], $0x3200  }
0x95: {  	[sflag:s31] =	ssyncset.done @!p2 $0x0  }
0x96: {  	s17 =	sadd.s32 @!p2 $0x3F0, s11;
	s10 =	simm.s32 @!p2 $0xA200;
	[sflag:s31] =	ssyncadd.s32 @!p2 $0xFFFFCE00  }
0x97: {  	[tilespmem:s10], [sflag:$0x2] =	stream.indirect.gather @!p2 [hbm4b:s1+s2], $0x80, s17, s2, $0xb8;
	v63 =	vld [tilespmem:$0x0]  }
0x98: {  	s21 =	sadd.s32 @!p2 $0x428, s11;
	s8 =	simm.s32 @!p2 $0xBB00  }
0x99: {  	[tilespmem:s8], [sflag:$0x2] =	stream.indirect.gather @!p2 [hbm4b:s1+s2], $0x80, s21, s2, $0xb8;
	v63 =	vld [tilespmem:$0x0]  }
0x9a: {  	_ =	swait.ge [sflag:s20], $0x3200  }
0x9b: {  	s17 =	sadd.s32 $0xE00, s7;
	[sflag:s20] =	ssyncset.done $0x0  }
0x9c: {  	s8 =	simm.s32 @!p2 $0xB;
	s21 =	simm.s32 $0xD400;
	[sflag:s20] =	ssyncadd.s32 $0xFFFFCE00  }
0x9d: {  	[hbm4b:s17+s16] =	stream.strided.scatter [tilespmem:s21], [sflag:$0xB], $0x3200, s18, s16, $0x38;
	v63 =	vld [tilespmem:$0x0]  }
0x9e: {  	_ =	swait.ge @!p2 [sflag:s8], $0x3200  }
0x9f: {  	s6 =	smov.u32 s29;
	s25 =	sadd.s32 @!p2 $0x460, s11;
	[sflag:s8] =	ssyncset.done @!p2 $0x0  }
0xa0: {  	s31 =	smov.u32 s6;
	s6 =	simm.s32 @!p2 $0xD400;
	[sflag:s8] =	ssyncadd.s32 @!p2 $0xFFFFCE00  }
0xa1: {  	[tilespmem:s6], [sflag:$0x3] =	stream.indirect.gather @!p2 [hbm4b:s1+s2], $0x80, s25, s2, $0xb8;
	v63 =	vld [tilespmem:$0x0]  }
0xa2: {  	s30 =	sadd.s32 @!p2 $0x498, s11;
	s8 =	simm.s32 @!p2 $0xED00  }
0xa3: {  	[tilespmem:s8], [sflag:$0x3] =	stream.indirect.gather @!p2 [hbm4b:s1+s2], $0x80, s30, s2, $0xb8;
	v63 =	vld [tilespmem:$0x0]  }
0xa4: {  	_ =	swait.ge [sflag:s22], $0x3200  }
0xa5: {  	s25 =	sadd.s32 $0x1500, s7;
	[sflag:s22] =	ssyncset.done $0x0  }
0xa6: {  	s8 =	simm.s32 @!p2 $0xC;
	s30 =	simm.s32 $0x10600;
	[sflag:s22] =	ssyncadd.s32 $0xFFFFCE00  }
0xa7: {  	[hbm4b:s25+s16] =	stream.strided.scatter [tilespmem:s30], [sflag:$0xC], $0x3200, s18, s16, $0x38;
	v63 =	vld [tilespmem:$0x0]  }
0xa8: {  	_ =	swait.ge @!p2 [sflag:s8], $0x3200  }
0xa9: {  	[sflag:s8] =	ssyncset.done @!p2 $0x0  }
0xaa: {  	s13 =	sadd.s32 @!p2 $0x4D0, s11;
	s6 =	simm.s32 @!p2 $0x10600;
	[sflag:s8] =	ssyncadd.s32 @!p2 $0xFFFFCE00  }
0xab: {  	[tilespmem:s6], [sflag:$0x4] =	stream.indirect.gather @!p2 [hbm4b:s1+s2], $0x80, s13, s2, $0xb8;
	v63 =	vld [tilespmem:$0x0]  }
0xac: {  	s9 =	sadd.s32 @!p2 $0x508, s11;
	s8 =	simm.s32 @!p2 $0x11F00  }
0xad: {  	[tilespmem:s8], [sflag:$0x4] =	stream.indirect.gather @!p2 [hbm4b:s1+s2], $0x80, s9, s2, $0xb8;
	v63 =	vld [tilespmem:$0x0]  }
0xae: {  	_ =	swait.ge [sflag:s23], $0x3200  }
0xaf: {  	s10 =	sadd.s32 $0x1C00, s7;
	[sflag:s23] =	ssyncset.done $0x0  }
0xb0: {  	s13 =	simm.s32 $0x13800;
	s8 =	simm.s32 @!p2 $0xD;
	[sflag:s23] =	ssyncadd.s32 $0xFFFFCE00  }
0xb1: {  	[hbm4b:s10+s16] =	stream.strided.scatter [tilespmem:s13], [sflag:$0xD], $0x3200, s18, s16, $0x38;
	v63 =	vld [tilespmem:$0x0]  }
0xb2: {  	_ =	swait.ge @!p2 [sflag:s8], $0x3200  }
0xb3: {  	[sflag:s8] =	ssyncset.done @!p2 $0x0  }
0xb4: {  	s5 =	sadd.s32 @!p2 $0x540, s11;
	s6 =	simm.s32 @!p2 $0x13800;
	[sflag:s8] =	ssyncadd.s32 @!p2 $0xFFFFCE00  }
0xb5: {  	[tilespmem:s6], [sflag:$0x5] =	stream.indirect.gather @!p2 [hbm4b:s1+s2], $0x80, s5, s2, $0xb8;
	v63 =	vld [tilespmem:$0x0]  }
0xb6: {  	s4 =	sadd.s32 @!p2 $0x578, s11;
	s8 =	simm.s32 @!p2 $0x15100  }
0xb7: {  	[tilespmem:s8], [sflag:$0x5] =	stream.indirect.gather @!p2 [hbm4b:s1+s2], $0x80, s4, s2, $0xb8;
	v63 =	vld [tilespmem:$0x0]  }
0xb8: {  	_ =	swait.ge [sflag:s24], $0x3200  }
0xb9: {  	s17 =	sadd.s32 $0x2300, s7;
	[sflag:s24] =	ssyncset.done $0x0  }
0xba: {  	s21 =	simm.s32 $0x16A00;
	s5 =	simm.s32 @!p2 $0xE;
	[sflag:s24] =	ssyncadd.s32 $0xFFFFCE00  }
0xbb: {  	[hbm4b:s17+s16] =	stream.strided.scatter [tilespmem:s21], [sflag:$0xE], $0x3200, s18, s16, $0x38;
	v63 =	vld [tilespmem:$0x0]  }
0xbc: {  	_ =	swait.ge @!p2 [sflag:s5], $0x3200  }
0xbd: {  	[sflag:s5] =	ssyncset.done @!p2 $0x0  }
0xbe: {  	s12 =	sadd.s32 @!p2 $0x5B0, s11;
	s4 =	simm.s32 @!p2 $0x16A00;
	[sflag:s5] =	ssyncadd.s32 @!p2 $0xFFFFCE00  }
0xbf: {  	[tilespmem:s4], [sflag:$0x6] =	stream.indirect.gather @!p2 [hbm4b:s1+s2], $0x80, s12, s2, $0xb8;
	v63 =	vld [tilespmem:$0x0]  }
0xc0: {  	s3 =	sadd.s32 @!p2 $0x5E8, s11;
	s5 =	simm.s32 @!p2 $0x18300  }
0xc1: {  	[tilespmem:s5], [sflag:$0x6] =	stream.indirect.gather @!p2 [hbm4b:s1+s2], $0x80, s3, s2, $0xb8;
	v63 =	vld [tilespmem:$0x0]  }
0xc2: {  	_ =	swait.ge [sflag:s26], $0x3200  }
0xc3: {  	s25 =	sadd.s32 $0x2A00, s7;
	[sflag:s26] =	ssyncset.done $0x0  }
0xc4: {  	s30 =	simm.s32 $0x19C00;
	s4 =	simm.s32 @!p2 $0xF;
	[sflag:s26] =	ssyncadd.s32 $0xFFFFCE00  }
0xc5: {  	[hbm4b:s25+s16] =	stream.strided.scatter [tilespmem:s30], [sflag:$0xF], $0x3200, s18, s16, $0x38;
	v63 =	vld [tilespmem:$0x0]  }
0xc6: {  	s29 =	sadd.s32 $0xE00, s29;
	_ =	swait.ge @!p2 [sflag:s4], $0x3200  }
0xc7: {  	p1 =	sne.s32 s29, $0x1C000;
	[sflag:s4] =	ssyncset.done @!p2 $0x0  }
0xc8: {  	s0 =	sadd.s32 @!p2 $0x620, s11;
	s3 =	simm.s32 @!p2 $0x19C00;
	[sflag:s4] =	ssyncadd.s32 @!p2 $0xFFFFCE00  }
0xc9: {  	[tilespmem:s3], [sflag:$0x7] =	stream.indirect.gather @!p2 [hbm4b:s1+s2], $0x80, s0, s2, $0xb8;
	v63 =	vld [tilespmem:$0x0]  }
.Ltmp0:
0xca: {  	_ = 	snop;
	(pc) =	sbr.rel @p1 .LBB2_2-.Ltmp0, $4  }
0xcb: {  	s11 =	sadd.s32 @!p2 $0x658, s11;
	s4 =	simm.s32 @!p2 $0x1B500  }
0xcc: {  	[tilespmem:s4], [sflag:$0x7] =	stream.indirect.gather @!p2 [hbm4b:s1+s2], $0x80, s11, s2, $0xb8;
	v63 =	vld [tilespmem:$0x0]  }
0xcd: {  	_ =	swait.ge [sflag:s28], $0x3200  }
0xce: {  	s0 =	sadd.s32 $0x3100, s7;
	s7 =	sadd.s32 $0x3800, s7;
	[sflag:s28] =	ssyncset.done $0x0  }
0xcf: {  	s2 =	simm.s32 @!p0 $0x10;
	[sflag:s28] =	ssyncadd.s32 $0xFFFFCE00  }
0xd0: {  	[hbm4b:s0+s16] =	stream.strided.scatter [tilespmem:s14], [sflag:$0x10], $0x3200, s18, s16, $0x38;
	v63 =	vld [tilespmem:$0x0]  }
0xd1: {  	_ =	swait.ge @!p0 [sflag:s2], $0x3200  }
0xd2: {  	s8 =	sshra.s32 s31, $0x2;
	[sflag:s2] =	ssyncset.done @!p0 $0x0  }
0xd3: {  	s4 =	simm.s32 $0x32;
	s9 =	sadd.s32 $0x310, s8;
	[sflag:s2] =	ssyncadd.s32 @!p0 $0xFFFFCE00  }
0xd4: {  	[tilespmem:s14], [sflag:$0x8] =	stream.indirect.gather [hbm4b:s1+s4], $0x80, s9, s4, $0xb8;
	v63 =	vld [tilespmem:$0x0]  }
0xd5: {  	s0 =	sadd.s32 $0x348, s8;
	s3 =	rddreg [dreg:$0x4]  }
0xd6: {  	[tilespmem:s3], [sflag:$0x8] =	stream.indirect.gather [hbm4b:s1+s4], $0x80, s0, s4, $0xb8;
	v63 =	vld [tilespmem:$0x0]  }
0xd7: {  	_ =	swait.ge [sflag:s15], $0x3200  }
0xd8: {  	p0 =	seq.s32 s31, $0x1B200;
	[sflag:s15] =	ssyncset.done $0x0  }
0xd9: {  	s10 =	simm.s32 $0x7000;
	s3 =	simm.s32 @!p0 $0x9;
	[sflag:s15] =	ssyncadd.s32 $0xFFFFCE00  }
0xda: {  	[hbm4b:s7+s16] =	stream.strided.scatter [tilespmem:s10], [sflag:$0x9], $0x3200, s18, s16, $0x38;
	v63 =	vld [tilespmem:$0x0]  }
0xdb: {  	_ =	swait.ge @!p0 [sflag:s3], $0x3200  }
0xdc: {  	s2 =	simm.s32 @!p0 $0x32;
	s0 =	sshra.s32 @!p0 s31, $0x2;
	[sflag:s3] =	ssyncset.done @!p0 $0x0  }
0xdd: {  	s4 =	sadd.s32 @!p0 $0x380, s0;
	[sflag:s3] =	ssyncadd.s32 @!p0 $0xFFFFCE00;
	s3 =	simm.s32 @!p0 $0x7000  }
0xde: {  	[tilespmem:s3], [sflag:$0x1] =	stream.indirect.gather @!p0 [hbm4b:s1+s2], $0x80, s4, s2, $0xb8;
	v63 =	vld [tilespmem:$0x0]  }
0xdf: {  	s3 =	sadd.s32 @!p0 $0x3B8, s0;
	s4 =	simm.s32 @!p0 $0x8900  }
0xe0: {  	[tilespmem:s4], [sflag:$0x1] =	stream.indirect.gather @!p0 [hbm4b:s1+s2], $0x80, s3, s2, $0xb8;
	v63 =	vld [tilespmem:$0x0]  }
0xe1: {  	_ =	swait.ge [sflag:s19], $0x3200  }
0xe2: {  	s11 =	sadd.s32 $0x700, s7;
	[sflag:s19] =	ssyncset.done $0x0  }
0xe3: {  	s5 =	simm.s32 $0xA200;
	s4 =	simm.s32 @!p0 $0xA;
	[sflag:s19] =	ssyncadd.s32 $0xFFFFCE00  }
0xe4: {  	[hbm4b:s11+s16] =	stream.strided.scatter [tilespmem:s5], [sflag:$0xA], $0x3200, s18, s16, $0x38;
	v63 =	vld [tilespmem:$0x0]  }
0xe5: {  	_ =	swait.ge @!p0 [sflag:s4], $0x3200  }
0xe6: {  	[sflag:s4] =	ssyncset.done @!p0 $0x0  }
0xe7: {  	s3 =	sadd.s32 @!p0 $0x3F0, s0;
	[sflag:s4] =	ssyncadd.s32 @!p0 $0xFFFFCE00;
	s4 =	simm.s32 @!p0 $0xA200  }
0xe8: {  	[tilespmem:s4], [sflag:$0x2] =	stream.indirect.gather @!p0 [hbm4b:s1+s2], $0x80, s3, s2, $0xb8;
	v63 =	vld [tilespmem:$0x0]  }
0xe9: {  	s3 =	sadd.s32 @!p0 $0x428, s0;
	s4 =	simm.s32 @!p0 $0xBB00  }
0xea: {  	[tilespmem:s4], [sflag:$0x2] =	stream.indirect.gather @!p0 [hbm4b:s1+s2], $0x80, s3, s2, $0xb8;
	v63 =	vld [tilespmem:$0x0]  }
0xeb: {  	_ =	swait.ge [sflag:s20], $0x3200  }
0xec: {  	s12 =	sadd.s32 $0xE00, s7;
	[sflag:s20] =	ssyncset.done $0x0  }
0xed: {  	s13 =	simm.s32 $0xD400;
	s4 =	simm.s32 @!p0 $0xB;
	[sflag:s20] =	ssyncadd.s32 $0xFFFFCE00  }
0xee: {  	[hbm4b:s12+s16] =	stream.strided.scatter [tilespmem:s13], [sflag:$0xB], $0x3200, s18, s16, $0x38;
	v63 =	vld [tilespmem:$0x0]  }
0xef: {  	_ =	swait.ge @!p0 [sflag:s4], $0x3200  }
0xf0: {  	[sflag:s4] =	ssyncset.done @!p0 $0x0  }
0xf1: {  	s3 =	sadd.s32 @!p0 $0x460, s0;
	[sflag:s4] =	ssyncadd.s32 @!p0 $0xFFFFCE00;
	s4 =	simm.s32 @!p0 $0xD400  }
0xf2: {  	[tilespmem:s4], [sflag:$0x3] =	stream.indirect.gather @!p0 [hbm4b:s1+s2], $0x80, s3, s2, $0xb8;
	v63 =	vld [tilespmem:$0x0]  }
0xf3: {  	s3 =	sadd.s32 @!p0 $0x498, s0;
	s4 =	simm.s32 @!p0 $0xED00  }
0xf4: {  	[tilespmem:s4], [sflag:$0x3] =	stream.indirect.gather @!p0 [hbm4b:s1+s2], $0x80, s3, s2, $0xb8;
	v63 =	vld [tilespmem:$0x0]  }
0xf5: {  	_ =	swait.ge [sflag:s22], $0x3200  }
0xf6: {  	s17 =	sadd.s32 $0x1500, s7;
	[sflag:s22] =	ssyncset.done $0x0  }
0xf7: {  	s21 =	simm.s32 $0x10600;
	s4 =	simm.s32 @!p0 $0xC;
	[sflag:s22] =	ssyncadd.s32 $0xFFFFCE00  }
0xf8: {  	[hbm4b:s17+s16] =	stream.strided.scatter [tilespmem:s21], [sflag:$0xC], $0x3200, s18, s16, $0x38;
	v63 =	vld [tilespmem:$0x0]  }
0xf9: {  	_ =	swait.ge @!p0 [sflag:s4], $0x3200  }
0xfa: {  	[sflag:s4] =	ssyncset.done @!p0 $0x0  }
0xfb: {  	s3 =	sadd.s32 @!p0 $0x4D0, s0;
	[sflag:s4] =	ssyncadd.s32 @!p0 $0xFFFFCE00;
	s4 =	simm.s32 @!p0 $0x10600  }
0xfc: {  	[tilespmem:s4], [sflag:$0x4] =	stream.indirect.gather @!p0 [hbm4b:s1+s2], $0x80, s3, s2, $0xb8;
	v63 =	vld [tilespmem:$0x0]  }
0xfd: {  	s3 =	sadd.s32 @!p0 $0x508, s0;
	s4 =	simm.s32 @!p0 $0x11F00  }
0xfe: {  	[tilespmem:s4], [sflag:$0x4] =	stream.indirect.gather @!p0 [hbm4b:s1+s2], $0x80, s3, s2, $0xb8;
	v63 =	vld [tilespmem:$0x0]  }
0xff: {  	_ =	swait.ge [sflag:s23], $0x3200  }
0x100: {  	s25 =	sadd.s32 $0x1C00, s7;
	[sflag:s23] =	ssyncset.done $0x0  }
0x101: {  	s29 =	simm.s32 $0x13800;
	s4 =	simm.s32 @!p0 $0xD;
	[sflag:s23] =	ssyncadd.s32 $0xFFFFCE00  }
0x102: {  	[hbm4b:s25+s16] =	stream.strided.scatter [tilespmem:s29], [sflag:$0xD], $0x3200, s18, s16, $0x38;
	v63 =	vld [tilespmem:$0x0]  }
0x103: {  	_ =	swait.ge @!p0 [sflag:s4], $0x3200  }
0x104: {  	[sflag:s4] =	ssyncset.done @!p0 $0x0  }
0x105: {  	s3 =	sadd.s32 @!p0 $0x540, s0;
	[sflag:s4] =	ssyncadd.s32 @!p0 $0xFFFFCE00;
	s4 =	simm.s32 @!p0 $0x13800  }
0x106: {  	[tilespmem:s4], [sflag:$0x5] =	stream.indirect.gather @!p0 [hbm4b:s1+s2], $0x80, s3, s2, $0xb8;
	v63 =	vld [tilespmem:$0x0]  }
0x107: {  	s3 =	sadd.s32 @!p0 $0x578, s0;
	s4 =	simm.s32 @!p0 $0x15100  }
0x108: {  	[tilespmem:s4], [sflag:$0x5] =	stream.indirect.gather @!p0 [hbm4b:s1+s2], $0x80, s3, s2, $0xb8;
	v63 =	vld [tilespmem:$0x0]  }
0x109: {  	_ =	swait.ge [sflag:s24], $0x3200  }
0x10a: {  	s30 =	sadd.s32 $0x2300, s7;
	[sflag:s24] =	ssyncset.done $0x0  }
0x10b: {  	s31 =	simm.s32 $0x16A00;
	s4 =	simm.s32 @!p0 $0xE;
	[sflag:s24] =	ssyncadd.s32 $0xFFFFCE00  }
0x10c: {  	[hbm4b:s30+s16] =	stream.strided.scatter [tilespmem:s31], [sflag:$0xE], $0x3200, s18, s16, $0x38;
	v63 =	vld [tilespmem:$0x0]  }
0x10d: {  	_ =	swait.ge @!p0 [sflag:s4], $0x3200  }
0x10e: {  	[sflag:s4] =	ssyncset.done @!p0 $0x0  }
0x10f: {  	s3 =	sadd.s32 @!p0 $0x5B0, s0;
	[sflag:s4] =	ssyncadd.s32 @!p0 $0xFFFFCE00;
	s4 =	simm.s32 @!p0 $0x16A00  }
0x110: {  	[tilespmem:s4], [sflag:$0x6] =	stream.indirect.gather @!p0 [hbm4b:s1+s2], $0x80, s3, s2, $0xb8;
	v63 =	vld [tilespmem:$0x0]  }
0x111: {  	s3 =	sadd.s32 @!p0 $0x5E8, s0;
	s4 =	simm.s32 @!p0 $0x18300  }
0x112: {  	[tilespmem:s4], [sflag:$0x6] =	stream.indirect.gather @!p0 [hbm4b:s1+s2], $0x80, s3, s2, $0xb8;
	v63 =	vld [tilespmem:$0x0]  }
0x113: {  	_ =	swait.ge [sflag:s26], $0x3200  }
0x114: {  	s6 =	sadd.s32 $0x2A00, s7;
	[sflag:s26] =	ssyncset.done $0x0  }
0x115: {  	s8 =	simm.s32 $0x19C00;
	s4 =	simm.s32 @!p0 $0xF;
	[sflag:s26] =	ssyncadd.s32 $0xFFFFCE00  }
0x116: {  	[hbm4b:s6+s16] =	stream.strided.scatter [tilespmem:s8], [sflag:$0xF], $0x3200, s18, s16, $0x38;
	v63 =	vld [tilespmem:$0x0]  }
0x117: {  	_ =	swait.ge @!p0 [sflag:s4], $0x3200  }
0x118: {  	[sflag:s4] =	ssyncset.done @!p0 $0x0  }
0x119: {  	s3 =	sadd.s32 @!p0 $0x620, s0;
	[sflag:s4] =	ssyncadd.s32 @!p0 $0xFFFFCE00;
	s4 =	simm.s32 @!p0 $0x19C00  }
0x11a: {  	[tilespmem:s4], [sflag:$0x7] =	stream.indirect.gather @!p0 [hbm4b:s1+s2], $0x80, s3, s2, $0xb8;
	v63 =	vld [tilespmem:$0x0]  }
0x11b: {  	s0 =	sadd.s32 @!p0 $0x658, s0;
	s3 =	simm.s32 @!p0 $0x1B500  }
0x11c: {  	[tilespmem:s3], [sflag:$0x7] =	stream.indirect.gather @!p0 [hbm4b:s1+s2], $0x80, s0, s2, $0xb8;
	v63 =	vld [tilespmem:$0x0]  }
0x11d: {  	_ =	swait.ge [sflag:s28], $0x3200  }
0x11e: {  	[sflag:s28] =	ssyncset.done $0x0  }
0x11f: {  	s9 =	sadd.s32 $0x3100, s7;
	s10 =	simm.s32 $0x9;
	[sflag:s28] =	ssyncadd.s32 $0xFFFFCE00  }
0x120: {  	[hbm4b:s9+s16] =	stream.strided.scatter [tilespmem:s14], [sflag:$0x10], $0x3200, s18, s16, $0x38;
	v63 =	vld [tilespmem:$0x0]  }
0x121: {  	_ =	swait.ge [sflag:s10], $0x3200  }
0x122: {  	[sflag:s10] =	ssyncset.done $0x0  }
0x123: {  	s11 =	simm.s32 $0xA;
	[sflag:s10] =	ssyncadd.s32 $0xFFFFCE00  }
0x124: {  	_ =	swait.ge [sflag:s11], $0x3200  }
0x125: {  	[sflag:s11] =	ssyncset.done $0x0  }
0x126: {  	s12 =	simm.s32 $0xB;
	[sflag:s11] =	ssyncadd.s32 $0xFFFFCE00  }
0x127: {  	_ =	swait.ge [sflag:s12], $0x3200  }
0x128: {  	[sflag:s12] =	ssyncset.done $0x0  }
0x129: {  	s13 =	simm.s32 $0xC;
	[sflag:s12] =	ssyncadd.s32 $0xFFFFCE00  }
0x12a: {  	_ =	swait.ge [sflag:s13], $0x3200  }
0x12b: {  	[sflag:s13] =	ssyncset.done $0x0  }
0x12c: {  	s17 =	simm.s32 $0xD;
	[sflag:s13] =	ssyncadd.s32 $0xFFFFCE00  }
0x12d: {  	_ =	swait.ge [sflag:s17], $0x3200  }
0x12e: {  	[sflag:s17] =	ssyncset.done $0x0  }
0x12f: {  	s21 =	simm.s32 $0xE;
	[sflag:s17] =	ssyncadd.s32 $0xFFFFCE00  }
0x130: {  	_ =	swait.ge [sflag:s21], $0x3200  }
0x131: {  	[sflag:s21] =	ssyncset.done $0x0  }
0x132: {  	s25 =	simm.s32 $0xF;
	[sflag:s21] =	ssyncadd.s32 $0xFFFFCE00  }
0x133: {  	_ =	swait.ge [sflag:s25], $0x3200  }
0x134: {  	[sflag:s25] =	ssyncset.done $0x0  }
0x135: {  	s29 =	simm.s32 $0x10;
	[sflag:s25] =	ssyncadd.s32 $0xFFFFCE00  }
0x136: {  	_ =	swait.ge [sflag:s29], $0x3200  }
0x137: {  	s30 =	rddreg [dreg:$0x8]  }
0x138: {  	s31 =	rddreg [dreg:$0x6];
	s3 =	sadd.s32 $0x1, s30  }
0x139: {  	p0 =	sne.s32 s3, s31  }
.Ltmp1:
0x13a: {  	_ = 	snop;
	(pc) =	sbr.rel @p0 .LBB2_1-.Ltmp1, $3  }
0x13b: {  	_ =	sdelay $0x1  }
0x13c: {  	[sflag:s29] =	ssyncset.done $0x0  }
0x13d: {  	[sflag:s29] =	ssyncadd.s32 $0xFFFFCE00  }
0x13e: {  	_ =	sfence.sel $0x180000  }
0x13f: {  	[bflag:$0x0] =	sbarrier.arrive $0xFFFF  }
0x140: {  	_ =	strace $0x90000047  }
0x141: {  	s0 =	stileid.u32;
	[bflag:$0x2] =	sbarrier.arrive $0xFFFF  }
0x142: {  	p0 =	sne.s32 s0, $0x0;
	s0 =	rddreg [dreg:$0x3]  }
0x143: {  	s0 =	sadd.s32 @!p0 $0x100000, s0  }
0x144: {  	[sflag:s0] =	ssyncadd.tile.s32 @!p0 $0x1;
	_ =	shalt  }
.Lfunc_end2:
_tile_overlayer_lowered:
.L_overlay_start_2:
0x145: {  	(tag) =	ssettag $0x2  }
0x146: {  	s0 =	rddreg [dreg:$0x0];
	s2 =	stileid.u32  }
0x147: {  	s1 =	rddreg [dreg:$0x1];
	p0 =	sne.s32 s2, $0x0  }
0x148: {  	s3 =	rddreg [dreg:$0x2];
	[bflag:$0x3] =	sbarrier.arrive $0xFFFF;
	s2 =	simm.s32 @!p0 $0x1C11  }
0x149: {  	[timem:s3], [sflag:s2] =	dma.local @!p0 [hbm:s0], s1  }
0x14a: {  	s0 =	simm.s32 @!p0 $0x11  }
0x14b: {  	_ =	swait.ge @!p0 [sflag:s0], s1  }
0x14c: {  	s1 =	ssub.s32 @!p0 $0x0, s1;
	[sflag:s0] =	ssyncset.done @!p0 $0x0  }
0x14d: {  	[sflag:s0] =	ssyncadd.s32 @!p0 s1  }
0x14e: {  	[bflag:$0x3] =	sbarrier.arrive $0xFFFF  }
0x14f: {  	_ =	shalt  }

</sc_bundles>
